<compile_context>
chip_gen: v7x
topology: tpu7x:2x2x1
jax: 0.10.2.dev20260603
libtpu: 0.0.44.dev20260713+nightly
codegen_flags: <defaults>
</compile_context>

<pallas_src>
import jax
import jax.numpy as jnp
from jax import lax
from jax.experimental import pallas as pl
from jax.experimental.pallas import tpu as pltpu
from jax.experimental.pallas import tpu_sc as plsc

N = 10000
NP = 10240
E = 320000
D = 128
DH = D // 2
NC, NS = 2, 16
NW = NC * NS
CHUNK = 125
NCHUNK = E // NS // CHUNK
NCHUNKD = E // NW // CHUNK
NBUF = 5
NCYC = NCHUNK // NBUF
RPT = NP // NS
ZROWS = 128
ND = NP // 16


def _agg_body(h_hbm, src_hbm, dst_hbm, out_hbm, *rest):
  srcv, dstv = rest[:2]
  rows = rest[2:2 + NBUF]
  zbuf = rest[2 + NBUF]
  gsem = rest[3 + NBUF:3 + 2 * NBUF]
  ssem = rest[3 + 2 * NBUF:3 + 3 * NBUF]
  acc = rest[3 + 3 * NBUF]
  cid = lax.axis_index("c")
  sid = lax.axis_index("s")

  pltpu.sync_copy(src_hbm.at[sid], srcv)
  pltpu.sync_copy(dst_hbm.at[sid], dstv)

  for b in range(NBUF):
    pltpu.async_copy(h_hbm.at[cid].at[srcv.at[b]], rows[b], gsem[b])

  zero16 = jnp.zeros((16,), jnp.float32)

  def zb(i, _):
    zbuf[i // (DH // 16), pl.ds((i % (DH // 16)) * 16, 16)] = zero16
    return 0

  lax.fori_loop(0, ZROWS * (DH // 16), zb, 0)
  for j in range(RPT // ZROWS):
    pltpu.sync_copy(zbuf, acc.at[pl.ds(sid * RPT + j * ZROWS, ZROWS)])

  plsc.subcore_barrier()

  def wait_g(b):
    pltpu.make_async_copy(h_hbm.at[cid].at[srcv.at[0]], rows[b],
                          gsem[b]).wait()

  def wait_s(b):
    pltpu.make_async_copy(rows[b], acc.at[dstv.at[0]], ssem[b]).wait()

  def cycle(g, _):
    for b in range(NBUF):
      j = NBUF * g + b
      wait_g(b)
      pltpu.async_copy(rows[b], acc.at[dstv.at[j]], ssem[b], add=True)
    for b in range(NBUF):
      jn = NBUF * (g + 1) + b
      wait_s(b)

      @pl.when(jn < NCHUNK)
      def _():
        pltpu.async_copy(h_hbm.at[cid].at[srcv.at[jn]], rows[b], gsem[b])
    return 0

  lax.fori_loop(0, NCYC, cycle, 0)

  plsc.subcore_barrier()

  pltpu.sync_copy(acc.at[pl.ds(sid * RPT, RPT)],
                  out_hbm.at[pl.ds(cid * NP + sid * RPT, RPT)])


def _deg_body(dst16_hbm, oh_hbm, deg_hbm, dst16v, oh0, oh1, zbuf16,
              og0, og1, ds0, ds1, dacc2):
  ohv, ogsem, dsem = [oh0, oh1], [og0, og1], [ds0, ds1]
  cid = lax.axis_index("c")
  sid = lax.axis_index("s")
  wid = cid * NS + sid

  pltpu.sync_copy(dst16_hbm.at[wid], dst16v)
  for kb in range(2):
    pltpu.async_copy(oh_hbm.at[wid * NCHUNKD + kb], ohv[kb], ogsem[kb])

  zero16 = jnp.zeros((16,), jnp.float32)

  def zd(i, _):
    zbuf16[i, pl.ds(0, 16)] = zero16
    return 0

  lax.fori_loop(0, ND // NS, zd, 0)
  pltpu.sync_copy(zbuf16, dacc2.at[pl.ds(sid * (ND // NS), ND // NS)])

  plsc.subcore_barrier()

  def wait_og(kb):
    pltpu.make_async_copy(oh_hbm.at[0], ohv[kb], ogsem[kb]).wait()

  def wait_ds(kb):
    pltpu.make_async_copy(ohv[kb], dacc2.at[dst16v.at[0]], dsem[kb]).wait()

  def dcycle(g, _):
    for kb in range(2):
      j = 2 * g + kb
      wait_og(kb)
      pltpu.async_copy(ohv[kb], dacc2.at[dst16v.at[j]], dsem[kb], add=True)
    for kb in range(2):
      jn = 2 * (g + 1) + kb
      wait_ds(kb)

      @pl.when(jn < NCHUNKD)
      def _():
        pltpu.async_copy(oh_hbm.at[wid * NCHUNKD + jn], ohv[kb], ogsem[kb])
    return 0

  lax.fori_loop(0, NCHUNKD // 2, dcycle, 0)

  plsc.subcore_barrier()

  @pl.when(sid == 0)
  def _():
    pltpu.sync_copy(dacc2, deg_hbm.at[cid])


_agg = pl.kernel(
    _agg_body,
    out_type=jax.ShapeDtypeStruct((NC * NP, DH), jnp.float32),
    mesh=plsc.VectorSubcoreMesh(core_axis_name="c", subcore_axis_name="s"),
    scratch_types=(
        [pltpu.VMEM((NCHUNK, CHUNK), jnp.int32)] * 2
        + [pltpu.VMEM((CHUNK, DH), jnp.float32)] * NBUF
        + [pltpu.VMEM((ZROWS, DH), jnp.float32)]
        + [pltpu.SemaphoreType.DMA] * (2 * NBUF)
        + [pltpu.VMEM_SHARED((NP, DH), jnp.float32)]
    ),
    compiler_params=pltpu.CompilerParams(use_tc_tiling_on_sc=False),
)

_deg = pl.kernel(
    _deg_body,
    out_type=jax.ShapeDtypeStruct((NC, ND, 16), jnp.float32),
    mesh=plsc.VectorSubcoreMesh(core_axis_name="c", subcore_axis_name="s"),
    scratch_types=(
        [pltpu.VMEM((NCHUNKD, CHUNK), jnp.int32)]
        + [pltpu.VMEM((CHUNK, 16), jnp.float32)] * 2
        + [pltpu.VMEM((ND // NS, 16), jnp.float32)]
        + [pltpu.SemaphoreType.DMA] * 4
        + [pltpu.VMEM_SHARED((ND, 16), jnp.float32)]
    ),
    compiler_params=pltpu.CompilerParams(use_tc_tiling_on_sc=False),
)


def _selfterm(h01, w_self, b):
  BR = 512
  G = NP // BR

  def body(h_ref, ws_ref, b_ref, o_ref):
    h = jnp.concatenate([h_ref[0], h_ref[1]], axis=1)
    o_ref[...] = jnp.dot(h, ws_ref[...],
                         preferred_element_type=jnp.float32) + b_ref[...]

  return pl.pallas_call(
      body,
      grid=(G,),
      in_specs=[
          pl.BlockSpec((NC, BR, DH), lambda i: (0, i, 0)),
          pl.BlockSpec((D, D), lambda i: (0, 0)),
          pl.BlockSpec((1, D), lambda i: (0, 0)),
      ],
      out_specs=pl.BlockSpec((BR, D), lambda i: (i, 0)),
      out_shape=jax.ShapeDtypeStruct((NP, D), jnp.float32),
  )(h01, w_self, b.reshape(1, D))


def _combine(st, agg, degp, w_neigh, flag):
  BR = 512
  G = NP // BR

  def body(st_ref, a_ref, d_ref, wn_ref, f_ref, o_ref):
    hn = jnp.concatenate([a_ref[0], a_ref[1]], axis=1)
    deg = d_ref[0] + d_ref[1]
    recip = 1.0 / jnp.maximum(deg, 1.0)
    acc = st_ref[...] + jnp.dot(hn * recip, wn_ref[...],
                                preferred_element_type=jnp.float32)
    acc = jnp.where(f_ref[0, 0] > 0.0, jnp.maximum(acc, 0.0), acc)
    o_ref[0] = acc[:, :DH]
    o_ref[1] = acc[:, DH:]

  return pl.pallas_call(
      body,
      grid=(G,),
      in_specs=[
          pl.BlockSpec((BR, D), lambda i: (i, 0)),
          pl.BlockSpec((NC, BR, DH), lambda i: (0, i, 0)),
          pl.BlockSpec((NC, BR, 1), lambda i: (0, i, 0)),
          pl.BlockSpec((D, D), lambda i: (0, 0)),
          pl.BlockSpec((1, 1), lambda i: (0, 0)),
      ],
      out_specs=pl.BlockSpec((NC, BR, DH), lambda i: (0, i, 0)),
      out_shape=jax.ShapeDtypeStruct((NC, NP, DH), jnp.float32),
  )(st, agg, degp, w_neigh, flag.reshape(1, 1))


@jax.jit
def kernel(x, edge_index, W_self0, W_neigh0, b0, W_self1, W_neigh1, b1,
           W_self2, W_neigh2, b2):
  src = edge_index[0].astype(jnp.int32).reshape(NS, NCHUNK, CHUNK)
  dstf = edge_index[1].astype(jnp.int32)
  dst = dstf.reshape(NS, NCHUNK, CHUNK)
  dst16 = (dstf // 16).reshape(NW, NCHUNKD, CHUNK)
  oh = jax.nn.one_hot(dstf % 16, 16, dtype=jnp.float32)
  oh = oh.reshape(NW * NCHUNKD, CHUNK, 16)
  x_pad = jnp.zeros((NP, D), jnp.float32).at[:N].set(x)
  x01 = x_pad.reshape(NP, NC, DH).transpose(1, 0, 2)

  degp = _deg(dst16, oh).reshape(NC, NP, 1)

  ws = jnp.stack([W_self0, W_self1, W_self2])
  wn = jnp.stack([W_neigh0, W_neigh1, W_neigh2])
  bs = jnp.stack([b0, b1, b2])
  flags = jnp.array([1.0, 1.0, 0.0], jnp.float32)

  n_iter = lax.optimization_barrier(jnp.int32(3))

  def cond(c):
    return c[0] < n_iter

  def layer(c):
    i, h = c
    agg = _agg(h, src, dst).reshape(NC, NP, DH)
    st = _selfterm(h, lax.dynamic_index_in_dim(ws, i, keepdims=False),
                   lax.dynamic_index_in_dim(bs, i, keepdims=False))
    h = _combine(st, agg, degp,
                 lax.dynamic_index_in_dim(wn, i, keepdims=False),
                 lax.dynamic_index_in_dim(flags, i, keepdims=False))
    return (i + 1, h)

  _, h = lax.while_loop(cond, layer, (jnp.int32(0), x01))
  return jnp.concatenate([h[0], h[1]], axis=1)[:N]

# --- scband reference (transcript-rebuilt; emitter-appended) ---
"""Pipeline reference for scband-sage-1168231105073 (READ-ONLY COPY).

The authoritative reference and input builder live on the scoring server;
editing this copy changes nothing except your own understanding.
"""

import jax, jax.numpy as jnp
import numpy as np

N_NODES = 10000


def _sage_conv(x, src, dst, W_self, W_neigh, b):
    msgs = x[src]
    agg = jax.ops.segment_sum(msgs, dst, num_segments=N_NODES)
    deg = jax.ops.segment_sum(jnp.ones_like(dst, dtype=jnp.float32), dst, num_segments=N_NODES)
    h_neigh = agg / jnp.clip(deg, 1.0)[:, None]
    return x @ W_self + h_neigh @ W_neigh + b


def setup_inputs(seed: int = 0) -> dict:
    key = jax.random.key(seed)
    ks = jax.random.split(key, 12)
    d_in, d_hid, d_out = 128, 128, 128
    x = jax.random.normal(ks[0], (N_NODES, d_in), dtype=jnp.float32)
    edge_index = jax.random.randint(ks[1], (2, 320000), 0, N_NODES, dtype=jnp.int64)
    s = 1.0 / np.sqrt(d_in)
    inp = {
        'x': x,
        'edge_index': edge_index,
        'W_self0': jax.random.normal(ks[2], (d_in, d_hid), dtype=jnp.float32) * s,
        'W_neigh0': jax.random.normal(ks[3], (d_in, d_hid), dtype=jnp.float32) * s,
        'b0': jnp.zeros((d_hid,), dtype=jnp.float32),
        'W_self1': jax.random.normal(ks[4], (d_hid, d_hid), dtype=jnp.float32) * s,
        'W_neigh1': jax.random.normal(ks[5], (d_hid, d_hid), dtype=jnp.float32) * s,
        'b1': jnp.zeros((d_hid,), dtype=jnp.float32),
        'W_self2': jax.random.normal(ks[6], (d_hid, d_out), dtype=jnp.float32) * s,
        'W_neigh2': jax.random.normal(ks[7], (d_hid, d_out), dtype=jnp.float32) * s,
        'b2': jnp.zeros((d_out,), dtype=jnp.float32),
    }
    return inp


def reference(x, edge_index, W_self0, W_neigh0, b0, W_self1, W_neigh1, b1, W_self2, W_neigh2, b2):
    src, dst = edge_index[0], edge_index[1]
    h = _sage_conv(x, src, dst, W_self0, W_neigh0, b0)
    h = jax.nn.relu(h)  # dropout is identity in eval mode
    h = _sage_conv(h, src, dst, W_self1, W_neigh1, b1)
    h = jax.nn.relu(h)
    h = _sage_conv(h, src, dst, W_self2, W_neigh2, b2)
    return h

if __name__ == "__main__":
    import jax
    _d = setup_inputs()
    print(jax.jit(kernel)(*tuple(_d.values())))

</pallas_src>

<mosaic_0001>
#map = affine_map<(d0, d1) -> (0, 0, 0)>
#map1 = affine_map<(d0, d1) -> (0, 0)>
module attributes {stable_mosaic.version = 14 : i64} {
  func.func @_agg_body(%arg0: i32, %arg1: i32, %arg2: memref<2x10240x64xf32, #tpu.memory_space<hbm>>, %arg3: memref<16x160x125xi32, #tpu.memory_space<hbm>>, %arg4: memref<16x160x125xi32, #tpu.memory_space<hbm>>, %arg5: memref<20480x64xf32, #tpu.memory_space<hbm>>, %arg6: memref<160x125xi32, #tpu.memory_space<vmem>>, %arg7: memref<160x125xi32, #tpu.memory_space<vmem>>, %arg8: memref<125x64xf32, #tpu.memory_space<vmem>>, %arg9: memref<125x64xf32, #tpu.memory_space<vmem>>, %arg10: memref<125x64xf32, #tpu.memory_space<vmem>>, %arg11: memref<125x64xf32, #tpu.memory_space<vmem>>, %arg12: memref<125x64xf32, #tpu.memory_space<vmem>>, %arg13: memref<128x64xf32, #tpu.memory_space<vmem>>, %arg14: memref<!tpu.dma_semaphore, #tpu.memory_space<semaphore_mem>>, %arg15: memref<!tpu.dma_semaphore, #tpu.memory_space<semaphore_mem>>, %arg16: memref<!tpu.dma_semaphore, #tpu.memory_space<semaphore_mem>>, %arg17: memref<!tpu.dma_semaphore, #tpu.memory_space<semaphore_mem>>, %arg18: memref<!tpu.dma_semaphore, #tpu.memory_space<semaphore_mem>>, %arg19: memref<!tpu.dma_semaphore, #tpu.memory_space<semaphore_mem>>, %arg20: memref<!tpu.dma_semaphore, #tpu.memory_space<semaphore_mem>>, %arg21: memref<!tpu.dma_semaphore, #tpu.memory_space<semaphore_mem>>, %arg22: memref<!tpu.dma_semaphore, #tpu.memory_space<semaphore_mem>>, %arg23: memref<!tpu.dma_semaphore, #tpu.memory_space<semaphore_mem>>, %arg24: memref<10240x64xf32, #tpu.memory_space<vmem_shared>>) attributes {dimension_semantics = [#tpu.dimension_semantics<core_parallel>, #tpu.dimension_semantics<subcore_parallel>], iteration_bounds = array<i64: 2, 16>, scalar_prefetch = 0 : i64, scratch_operands = 19 : i64, tpu.core_type = #tpu.core_type<sc_vector_subcore>, window_params = [{transform_indices = #map}, {transform_indices = #map}, {transform_indices = #map}, {transform_indices = #map1}]} {
    "tpu.region"() ({
      %run_scoped3A = tpu.sem_alloc : memref<!tpu.dma_semaphore, #tpu.memory_space<semaphore_mem>>
      %dma_start3A_94 = arith.constant 0 : i32
      %dma_start3A_95 = arith.constant 0 : i32
      %dma_start3A_96 = tpu.memref_slice %arg3[%arg1, %dma_start3A_94, %dma_start3A_95] : memref<16x160x125xi32, #tpu.memory_space<hbm>> -> memref<1x160x125xi32, #tpu.memory_space<hbm>>
      %dma_start3A_97 = tpu.memref_squeeze %dma_start3A_96 : memref<1x160x125xi32, #tpu.memory_space<hbm>> -> memref<160x125xi32, #tpu.memory_space<hbm>>
      %dma_start3A_98 = arith.constant 0 : i32
      %dma_start3A_99 = arith.constant 0 : i32
      %dma_start3A_100 = tpu.memref_slice %arg3[%arg1, %dma_start3A_98, %dma_start3A_99] : memref<16x160x125xi32, #tpu.memory_space<hbm>> -> memref<1x160x125xi32, #tpu.memory_space<hbm>>
      %dma_start3A_101 = tpu.memref_squeeze %dma_start3A_100 : memref<1x160x125xi32, #tpu.memory_space<hbm>> -> memref<160x125xi32, #tpu.memory_space<hbm>>
      tpu.enqueue_dma source(%dma_start3A_101 : memref<160x125xi32, #tpu.memory_space<hbm>>) target(%arg6 : memref<160x125xi32, #tpu.memory_space<vmem>>) target_semaphore(%run_scoped3A : memref<!tpu.dma_semaphore, #tpu.memory_space<semaphore_mem>>)
      %dma_wait3A = arith.constant 0 : i32
      %dma_wait3A_102 = arith.constant 0 : i32
      %dma_wait3A_103 = tpu.memref_slice %arg3[%arg1, %dma_wait3A, %dma_wait3A_102] : memref<16x160x125xi32, #tpu.memory_space<hbm>> -> memref<1x160x125xi32, #tpu.memory_space<hbm>>
      %dma_wait3A_104 = tpu.memref_squeeze %dma_wait3A_103 : memref<1x160x125xi32, #tpu.memory_space<hbm>> -> memref<160x125xi32, #tpu.memory_space<hbm>>
      %dma_wait3A_105 = arith.constant 0 : i32
      %dma_wait3A_106 = arith.constant 0 : i32
      %dma_wait3A_107 = tpu.memref_slice %arg3[%arg1, %dma_wait3A_105, %dma_wait3A_106] : memref<16x160x125xi32, #tpu.memory_space<hbm>> -> memref<1x160x125xi32, #tpu.memory_space<hbm>>
      %dma_wait3A_108 = tpu.memref_squeeze %dma_wait3A_107 : memref<1x160x125xi32, #tpu.memory_space<hbm>> -> memref<160x125xi32, #tpu.memory_space<hbm>>
      tpu.wait_dma2 semaphore(%run_scoped3A : memref<!tpu.dma_semaphore, #tpu.memory_space<semaphore_mem>>) src(%dma_wait3A_108 : memref<160x125xi32, #tpu.memory_space<hbm>>) dst(%arg6 : memref<160x125xi32, #tpu.memory_space<vmem>>)
      tpu.yield
    }) : () -> ()
    "tpu.region"() ({
      %run_scoped3A = tpu.sem_alloc : memref<!tpu.dma_semaphore, #tpu.memory_space<semaphore_mem>>
      %dma_start3A_94 = arith.constant 0 : i32
      %dma_start3A_95 = arith.constant 0 : i32
      %dma_start3A_96 = tpu.memref_slice %arg4[%arg1, %dma_start3A_94, %dma_start3A_95] : memref<16x160x125xi32, #tpu.memory_space<hbm>> -> memref<1x160x125xi32, #tpu.memory_space<hbm>>
      %dma_start3A_97 = tpu.memref_squeeze %dma_start3A_96 : memref<1x160x125xi32, #tpu.memory_space<hbm>> -> memref<160x125xi32, #tpu.memory_space<hbm>>
      %dma_start3A_98 = arith.constant 0 : i32
      %dma_start3A_99 = arith.constant 0 : i32
      %dma_start3A_100 = tpu.memref_slice %arg4[%arg1, %dma_start3A_98, %dma_start3A_99] : memref<16x160x125xi32, #tpu.memory_space<hbm>> -> memref<1x160x125xi32, #tpu.memory_space<hbm>>
      %dma_start3A_101 = tpu.memref_squeeze %dma_start3A_100 : memref<1x160x125xi32, #tpu.memory_space<hbm>> -> memref<160x125xi32, #tpu.memory_space<hbm>>
      tpu.enqueue_dma source(%dma_start3A_101 : memref<160x125xi32, #tpu.memory_space<hbm>>) target(%arg7 : memref<160x125xi32, #tpu.memory_space<vmem>>) target_semaphore(%run_scoped3A : memref<!tpu.dma_semaphore, #tpu.memory_space<semaphore_mem>>)
      %dma_wait3A = arith.constant 0 : i32
      %dma_wait3A_102 = arith.constant 0 : i32
      %dma_wait3A_103 = tpu.memref_slice %arg4[%arg1, %dma_wait3A, %dma_wait3A_102] : memref<16x160x125xi32, #tpu.memory_space<hbm>> -> memref<1x160x125xi32, #tpu.memory_space<hbm>>
      %dma_wait3A_104 = tpu.memref_squeeze %dma_wait3A_103 : memref<1x160x125xi32, #tpu.memory_space<hbm>> -> memref<160x125xi32, #tpu.memory_space<hbm>>
      %dma_wait3A_105 = arith.constant 0 : i32
      %dma_wait3A_106 = arith.constant 0 : i32
      %dma_wait3A_107 = tpu.memref_slice %arg4[%arg1, %dma_wait3A_105, %dma_wait3A_106] : memref<16x160x125xi32, #tpu.memory_space<hbm>> -> memref<1x160x125xi32, #tpu.memory_space<hbm>>
      %dma_wait3A_108 = tpu.memref_squeeze %dma_wait3A_107 : memref<1x160x125xi32, #tpu.memory_space<hbm>> -> memref<160x125xi32, #tpu.memory_space<hbm>>
      tpu.wait_dma2 semaphore(%run_scoped3A : memref<!tpu.dma_semaphore, #tpu.memory_space<semaphore_mem>>) src(%dma_wait3A_108 : memref<160x125xi32, #tpu.memory_space<hbm>>) dst(%arg7 : memref<160x125xi32, #tpu.memory_space<vmem>>)
      tpu.yield
    }) : () -> ()
    %dma_start3A = arith.constant 0 : i32
    %dma_start3A_0 = arith.constant 0 : i32
    %dma_start3A_1 = tpu.memref_slice %arg6[%dma_start3A, %dma_start3A_0] : memref<160x125xi32, #tpu.memory_space<vmem>> -> memref<1x125xi32, #tpu.memory_space<vmem>>
    %dma_start3A_2 = tpu.memref_squeeze %dma_start3A_1 : memref<1x125xi32, #tpu.memory_space<vmem>> -> memref<125xi32, #tpu.memory_space<vmem>>
    %dma_start3A_3 = arith.constant 0 : i32
    %dma_start3A_4 = arith.constant 0 : i32
    %dma_start3A_5 = tpu.memref_slice %arg2[%arg0, %dma_start3A_3, %dma_start3A_4] : memref<2x10240x64xf32, #tpu.memory_space<hbm>> -> memref<1x10240x64xf32, #tpu.memory_space<hbm>>
    %dma_start3A_6 = tpu.memref_squeeze %dma_start3A_5 : memref<1x10240x64xf32, #tpu.memory_space<hbm>> -> memref<10240x64xf32, #tpu.memory_space<hbm>>
    %dma_start3A_7 = arith.constant 0 : i32
    %dma_start3A_8 = arith.constant 0 : i32
    %dma_start3A_9 = tpu.memref_slice %dma_start3A_6[%dma_start3A_7, %dma_start3A_8] : memref<10240x64xf32, #tpu.memory_space<hbm>> -> memref<10240x64xf32, #tpu.memory_space<hbm>>
    tpu.enqueue_indirect_dma source(%dma_start3A_9 : memref<10240x64xf32, #tpu.memory_space<hbm>>) target(%arg8 : memref<125x64xf32, #tpu.memory_space<vmem>>) offsets(%dma_start3A_2 : memref<125xi32, #tpu.memory_space<vmem>>) semaphore(%arg14 : memref<!tpu.dma_semaphore, #tpu.memory_space<semaphore_mem>>)
    %dma_start3A_10 = arith.constant 1 : i32
    %dma_start3A_11 = arith.constant 0 : i32
    %dma_start3A_12 = tpu.memref_slice %arg6[%dma_start3A_10, %dma_start3A_11] : memref<160x125xi32, #tpu.memory_space<vmem>> -> memref<1x125xi32, #tpu.memory_space<vmem>>
    %dma_start3A_13 = tpu.memref_squeeze %dma_start3A_12 : memref<1x125xi32, #tpu.memory_space<vmem>> -> memref<125xi32, #tpu.memory_space<vmem>>
    %dma_start3A_14 = arith.constant 0 : i32
    %dma_start3A_15 = arith.constant 0 : i32
    %dma_start3A_16 = tpu.memref_slice %arg2[%arg0, %dma_start3A_14, %dma_start3A_15] : memref<2x10240x64xf32, #tpu.memory_space<hbm>> -> memref<1x10240x64xf32, #tpu.memory_space<hbm>>
    %dma_start3A_17 = tpu.memref_squeeze %dma_start3A_16 : memref<1x10240x64xf32, #tpu.memory_space<hbm>> -> memref<10240x64xf32, #tpu.memory_space<hbm>>
    %dma_start3A_18 = arith.constant 0 : i32
    %dma_start3A_19 = arith.constant 0 : i32
    %dma_start3A_20 = tpu.memref_slice %dma_start3A_17[%dma_start3A_18, %dma_start3A_19] : memref<10240x64xf32, #tpu.memory_space<hbm>> -> memref<10240x64xf32, #tpu.memory_space<hbm>>
    tpu.enqueue_indirect_dma source(%dma_start3A_20 : memref<10240x64xf32, #tpu.memory_space<hbm>>) target(%arg9 : memref<125x64xf32, #tpu.memory_space<vmem>>) offsets(%dma_start3A_13 : memref<125xi32, #tpu.memory_space<vmem>>) semaphore(%arg15 : memref<!tpu.dma_semaphore, #tpu.memory_space<semaphore_mem>>)
    %dma_start3A_21 = arith.constant 2 : i32
    %dma_start3A_22 = arith.constant 0 : i32
    %dma_start3A_23 = tpu.memref_slice %arg6[%dma_start3A_21, %dma_start3A_22] : memref<160x125xi32, #tpu.memory_space<vmem>> -> memref<1x125xi32, #tpu.memory_space<vmem>>
    %dma_start3A_24 = tpu.memref_squeeze %dma_start3A_23 : memref<1x125xi32, #tpu.memory_space<vmem>> -> memref<125xi32, #tpu.memory_space<vmem>>
    %dma_start3A_25 = arith.constant 0 : i32
    %dma_start3A_26 = arith.constant 0 : i32
    %dma_start3A_27 = tpu.memref_slice %arg2[%arg0, %dma_start3A_25, %dma_start3A_26] : memref<2x10240x64xf32, #tpu.memory_space<hbm>> -> memref<1x10240x64xf32, #tpu.memory_space<hbm>>
    %dma_start3A_28 = tpu.memref_squeeze %dma_start3A_27 : memref<1x10240x64xf32, #tpu.memory_space<hbm>> -> memref<10240x64xf32, #tpu.memory_space<hbm>>
    %dma_start3A_29 = arith.constant 0 : i32
    %dma_start3A_30 = arith.constant 0 : i32
    %dma_start3A_31 = tpu.memref_slice %dma_start3A_28[%dma_start3A_29, %dma_start3A_30] : memref<10240x64xf32, #tpu.memory_space<hbm>> -> memref<10240x64xf32, #tpu.memory_space<hbm>>
    tpu.enqueue_indirect_dma source(%dma_start3A_31 : memref<10240x64xf32, #tpu.memory_space<hbm>>) target(%arg10 : memref<125x64xf32, #tpu.memory_space<vmem>>) offsets(%dma_start3A_24 : memref<125xi32, #tpu.memory_space<vmem>>) semaphore(%arg16 : memref<!tpu.dma_semaphore, #tpu.memory_space<semaphore_mem>>)
    %dma_start3A_32 = arith.constant 3 : i32
    %dma_start3A_33 = arith.constant 0 : i32
    %dma_start3A_34 = tpu.memref_slice %arg6[%dma_start3A_32, %dma_start3A_33] : memref<160x125xi32, #tpu.memory_space<vmem>> -> memref<1x125xi32, #tpu.memory_space<vmem>>
    %dma_start3A_35 = tpu.memref_squeeze %dma_start3A_34 : memref<1x125xi32, #tpu.memory_space<vmem>> -> memref<125xi32, #tpu.memory_space<vmem>>
    %dma_start3A_36 = arith.constant 0 : i32
    %dma_start3A_37 = arith.constant 0 : i32
    %dma_start3A_38 = tpu.memref_slice %arg2[%arg0, %dma_start3A_36, %dma_start3A_37] : memref<2x10240x64xf32, #tpu.memory_space<hbm>> -> memref<1x10240x64xf32, #tpu.memory_space<hbm>>
    %dma_start3A_39 = tpu.memref_squeeze %dma_start3A_38 : memref<1x10240x64xf32, #tpu.memory_space<hbm>> -> memref<10240x64xf32, #tpu.memory_space<hbm>>
    %dma_start3A_40 = arith.constant 0 : i32
    %dma_start3A_41 = arith.constant 0 : i32
    %dma_start3A_42 = tpu.memref_slice %dma_start3A_39[%dma_start3A_40, %dma_start3A_41] : memref<10240x64xf32, #tpu.memory_space<hbm>> -> memref<10240x64xf32, #tpu.memory_space<hbm>>
    tpu.enqueue_indirect_dma source(%dma_start3A_42 : memref<10240x64xf32, #tpu.memory_space<hbm>>) target(%arg11 : memref<125x64xf32, #tpu.memory_space<vmem>>) offsets(%dma_start3A_35 : memref<125xi32, #tpu.memory_space<vmem>>) semaphore(%arg17 : memref<!tpu.dma_semaphore, #tpu.memory_space<semaphore_mem>>)
    %dma_start3A_43 = arith.constant 4 : i32
    %dma_start3A_44 = arith.constant 0 : i32
    %dma_start3A_45 = tpu.memref_slice %arg6[%dma_start3A_43, %dma_start3A_44] : memref<160x125xi32, #tpu.memory_space<vmem>> -> memref<1x125xi32, #tpu.memory_space<vmem>>
    %dma_start3A_46 = tpu.memref_squeeze %dma_start3A_45 : memref<1x125xi32, #tpu.memory_space<vmem>> -> memref<125xi32, #tpu.memory_space<vmem>>
    %dma_start3A_47 = arith.constant 0 : i32
    %dma_start3A_48 = arith.constant 0 : i32
    %dma_start3A_49 = tpu.memref_slice %arg2[%arg0, %dma_start3A_47, %dma_start3A_48] : memref<2x10240x64xf32, #tpu.memory_space<hbm>> -> memref<1x10240x64xf32, #tpu.memory_space<hbm>>
    %dma_start3A_50 = tpu.memref_squeeze %dma_start3A_49 : memref<1x10240x64xf32, #tpu.memory_space<hbm>> -> memref<10240x64xf32, #tpu.memory_space<hbm>>
    %dma_start3A_51 = arith.constant 0 : i32
    %dma_start3A_52 = arith.constant 0 : i32
    %dma_start3A_53 = tpu.memref_slice %dma_start3A_50[%dma_start3A_51, %dma_start3A_52] : memref<10240x64xf32, #tpu.memory_space<hbm>> -> memref<10240x64xf32, #tpu.memory_space<hbm>>
    tpu.enqueue_indirect_dma source(%dma_start3A_53 : memref<10240x64xf32, #tpu.memory_space<hbm>>) target(%arg12 : memref<125x64xf32, #tpu.memory_space<vmem>>) offsets(%dma_start3A_46 : memref<125xi32, #tpu.memory_space<vmem>>) semaphore(%arg18 : memref<!tpu.dma_semaphore, #tpu.memory_space<semaphore_mem>>)
    %broadcast_in_dim3A = arith.constant 0.000000e+00 : f32
    %broadcast_in_dim3A_54 = vector.broadcast %broadcast_in_dim3A : f32 to vector<16xf32>
    %scan3A = arith.constant 0 : i32
    %scan3A_55 = arith.constant 0 : i32
    %scan3A_56 = arith.constant 512 : i32
    %scan3A_57 = arith.addi %scan3A_55, %scan3A_56 : i32
    %scan3A_58 = arith.constant 1 : i32
    %scan3A_59 = scf.for %scan3A_94 = %scan3A_55 to %scan3A_57 step %scan3A_58 iter_args(%scan3A_95 = %scan3A) -> (i32)  : i32 {
      %jit3A = arith.constant 4 : i32
      %div3A = arith.divsi %scan3A_94, %jit3A : i32
      %sign3A = arith.constant 0 : i32
      %sign3A_96 = arith.cmpi sgt, %scan3A_94, %sign3A : i32
      %sign3A_97 = arith.extui %sign3A_96 : i1 to i32
      %sign3A_98 = arith.constant 0 : i32
      %sign3A_99 = arith.cmpi slt, %scan3A_94, %sign3A_98 : i32
      %sign3A_100 = arith.extui %sign3A_99 : i1 to i32
      %sign3A_101 = arith.subi %sign3A_97, %sign3A_100 : i32
      %sign3A_102 = arith.constant 0 : i32
      %sign3A_103 = arith.cmpi sgt, %jit3A, %sign3A_102 : i32
      %sign3A_104 = arith.extui %sign3A_103 : i1 to i32
      %sign3A_105 = arith.constant 0 : i32
      %sign3A_106 = arith.cmpi slt, %jit3A, %sign3A_105 : i32
      %sign3A_107 = arith.extui %sign3A_106 : i1 to i32
      %sign3A_108 = arith.subi %sign3A_104, %sign3A_107 : i32
      %ne3A = arith.cmpi ne, %sign3A_101, %sign3A_108 : i32
      %rem3A = arith.remsi %scan3A_94, %jit3A : i32
      %ne3A_109 = arith.constant 0 : i32
      %ne3A_110 = arith.cmpi ne, %rem3A, %ne3A_109 : i32
      %and3A = arith.andi %ne3A, %ne3A_110 : i1
      %sub3A = arith.constant 1 : i32
      %sub3A_111 = arith.subi %div3A, %sub3A : i32
      %select_n3A = arith.select %and3A, %sub3A_111, %div3A : i32
      %jit3A_112 = arith.constant 4 : i32
      %eq3A = arith.constant 0 : i32
      %eq3A_113 = arith.cmpi eq, %jit3A_112, %eq3A : i32
      %jit3A_114 = arith.constant 1 : i32
      %select_n3A_115 = arith.select %eq3A_113, %jit3A_114, %jit3A_112 : i32
      %rem3A_116 = arith.remsi %scan3A_94, %select_n3A_115 : i32
      %ne3A_117 = arith.constant 0 : i32
      %ne3A_118 = arith.cmpi ne, %rem3A_116, %ne3A_117 : i32
      %lt3A = arith.constant 0 : i32
      %lt3A_119 = arith.cmpi slt, %rem3A_116, %lt3A : i32
      %lt3A_120 = arith.constant 0 : i32
      %lt3A_121 = arith.cmpi slt, %select_n3A_115, %lt3A_120 : i32
      %ne3A_122 = arith.xori %lt3A_119, %lt3A_121 : i1
      %and3A_123 = arith.andi %ne3A_122, %ne3A_118 : i1
      %add3A_124 = arith.addi %rem3A_116, %select_n3A_115 : i32
      %select_n3A_125 = arith.select %and3A_123, %add3A_124, %rem3A_116 : i32
      %mul3A_126 = arith.constant 16 : i32
      %mul3A_127 = arith.muli %select_n3A_125, %mul3A_126 : i32
      %swap3A = arith.index_cast %select_n3A : i32 to index
      %swap3A_128 = arith.index_cast %mul3A_127 : i32 to index
      %swap3A_129 = tpu.vector_load %arg13[%swap3A, %swap3A_128] {strides = array<i32>} : memref<128x64xf32, #tpu.memory_space<vmem>>, vector<1x16xf32>,
      %swap3A_130 = vector.shape_cast %swap3A_129 : vector<1x16xf32> to vector<16xf32>
      %swap3A_131 = vector.shape_cast %broadcast_in_dim3A_54 : vector<16xf32> to vector<1x16xf32>
      tpu.vector_store %arg13[%swap3A, %swap3A_128], %swap3A_131 {strides = array<i32>} : memref<128x64xf32, #tpu.memory_space<vmem>>, vector<1x16xf32>,
      %scan3A_132 = arith.constant 0 : i32
      scf.yield %scan3A_132 : i32
    }
    %scan3A_60 = arith.constant 512 : i32
    %mul3A = arith.constant 640 : i32
    %mul3A_61 = arith.muli %arg1, %mul3A : i32
    %add3A = arith.constant 0 : i32
    %add3A_62 = arith.addi %mul3A_61, %add3A : i32
    "tpu.region"() ({
      %run_scoped3A = tpu.sem_alloc : memref<!tpu.dma_semaphore, #tpu.memory_space<semaphore_mem>>
      %dma_start3A_94 = arith.constant 0 : i32
      %dma_start3A_95 = tpu.memref_slice %arg24[%add3A_62, %dma_start3A_94] : memref<10240x64xf32, #tpu.memory_space<vmem_shared>> -> memref<128x64xf32, #tpu.memory_space<vmem_shared>>
      %dma_start3A_96 = arith.constant 0 : i32
      %dma_start3A_97 = tpu.memref_slice %arg24[%add3A_62, %dma_start3A_96] : memref<10240x64xf32, #tpu.memory_space<vmem_shared>> -> memref<128x64xf32, #tpu.memory_space<vmem_shared>>
      tpu.enqueue_dma source(%arg13 : memref<128x64xf32, #tpu.memory_space<vmem>>) target(%dma_start3A_97 : memref<128x64xf32, #tpu.memory_space<vmem_shared>>) target_semaphore(%run_scoped3A : memref<!tpu.dma_semaphore, #tpu.memory_space<semaphore_mem>>)
      %dma_wait3A = arith.constant 0 : i32
      %dma_wait3A_98 = tpu.memref_slice %arg24[%add3A_62, %dma_wait3A] : memref<10240x64xf32, #tpu.memory_space<vmem_shared>> -> memref<128x64xf32, #tpu.memory_space<vmem_shared>>
      %dma_wait3A_99 = arith.constant 0 : i32
      %dma_wait3A_100 = tpu.memref_slice %arg24[%add3A_62, %dma_wait3A_99] : memref<10240x64xf32, #tpu.memory_space<vmem_shared>> -> memref<128x64xf32, #tpu.memory_space<vmem_shared>>
      tpu.wait_dma2 semaphore(%run_scoped3A : memref<!tpu.dma_semaphore, #tpu.memory_space<semaphore_mem>>) src(%arg13 : memref<128x64xf32, #tpu.memory_space<vmem>>) dst(%dma_wait3A_100 : memref<128x64xf32, #tpu.memory_space<vmem_shared>>)
      tpu.yield
    }) : () -> ()
    %mul3A_63 = arith.constant 640 : i32
    %mul3A_64 = arith.muli %arg1, %mul3A_63 : i32
    %add3A_65 = arith.constant 128 : i32
    %add3A_66 = arith.addi %mul3A_64, %add3A_65 : i32
    "tpu.region"() ({
      %run_scoped3A = tpu.sem_alloc : memref<!tpu.dma_semaphore, #tpu.memory_space<semaphore_mem>>
      %dma_start3A_94 = arith.constant 0 : i32
      %dma_start3A_95 = tpu.memref_slice %arg24[%add3A_66, %dma_start3A_94] : memref<10240x64xf32, #tpu.memory_space<vmem_shared>> -> memref<128x64xf32, #tpu.memory_space<vmem_shared>>
      %dma_start3A_96 = arith.constant 0 : i32
      %dma_start3A_97 = tpu.memref_slice %arg24[%add3A_66, %dma_start3A_96] : memref<10240x64xf32, #tpu.memory_space<vmem_shared>> -> memref<128x64xf32, #tpu.memory_space<vmem_shared>>
      tpu.enqueue_dma source(%arg13 : memref<128x64xf32, #tpu.memory_space<vmem>>) target(%dma_start3A_97 : memref<128x64xf32, #tpu.memory_space<vmem_shared>>) target_semaphore(%run_scoped3A : memref<!tpu.dma_semaphore, #tpu.memory_space<semaphore_mem>>)
      %dma_wait3A = arith.constant 0 : i32
      %dma_wait3A_98 = tpu.memref_slice %arg24[%add3A_66, %dma_wait3A] : memref<10240x64xf32, #tpu.memory_space<vmem_shared>> -> memref<128x64xf32, #tpu.memory_space<vmem_shared>>
      %dma_wait3A_99 = arith.constant 0 : i32
      %dma_wait3A_100 = tpu.memref_slice %arg24[%add3A_66, %dma_wait3A_99] : memref<10240x64xf32, #tpu.memory_space<vmem_shared>> -> memref<128x64xf32, #tpu.memory_space<vmem_shared>>
      tpu.wait_dma2 semaphore(%run_scoped3A : memref<!tpu.dma_semaphore, #tpu.memory_space<semaphore_mem>>) src(%arg13 : memref<128x64xf32, #tpu.memory_space<vmem>>) dst(%dma_wait3A_100 : memref<128x64xf32, #tpu.memory_space<vmem_shared>>)
      tpu.yield
    }) : () -> ()
    %mul3A_67 = arith.constant 640 : i32
    %mul3A_68 = arith.muli %arg1, %mul3A_67 : i32
    %add3A_69 = arith.constant 256 : i32
    %add3A_70 = arith.addi %mul3A_68, %add3A_69 : i32
    "tpu.region"() ({
      %run_scoped3A = tpu.sem_alloc : memref<!tpu.dma_semaphore, #tpu.memory_space<semaphore_mem>>
      %dma_start3A_94 = arith.constant 0 : i32
      %dma_start3A_95 = tpu.memref_slice %arg24[%add3A_70, %dma_start3A_94] : memref<10240x64xf32, #tpu.memory_space<vmem_shared>> -> memref<128x64xf32, #tpu.memory_space<vmem_shared>>
      %dma_start3A_96 = arith.constant 0 : i32
      %dma_start3A_97 = tpu.memref_slice %arg24[%add3A_70, %dma_start3A_96] : memref<10240x64xf32, #tpu.memory_space<vmem_shared>> -> memref<128x64xf32, #tpu.memory_space<vmem_shared>>
      tpu.enqueue_dma source(%arg13 : memref<128x64xf32, #tpu.memory_space<vmem>>) target(%dma_start3A_97 : memref<128x64xf32, #tpu.memory_space<vmem_shared>>) target_semaphore(%run_scoped3A : memref<!tpu.dma_semaphore, #tpu.memory_space<semaphore_mem>>)
      %dma_wait3A = arith.constant 0 : i32
      %dma_wait3A_98 = tpu.memref_slice %arg24[%add3A_70, %dma_wait3A] : memref<10240x64xf32, #tpu.memory_space<vmem_shared>> -> memref<128x64xf32, #tpu.memory_space<vmem_shared>>
      %dma_wait3A_99 = arith.constant 0 : i32
      %dma_wait3A_100 = tpu.memref_slice %arg24[%add3A_70, %dma_wait3A_99] : memref<10240x64xf32, #tpu.memory_space<vmem_shared>> -> memref<128x64xf32, #tpu.memory_space<vmem_shared>>
      tpu.wait_dma2 semaphore(%run_scoped3A : memref<!tpu.dma_semaphore, #tpu.memory_space<semaphore_mem>>) src(%arg13 : memref<128x64xf32, #tpu.memory_space<vmem>>) dst(%dma_wait3A_100 : memref<128x64xf32, #tpu.memory_space<vmem_shared>>)
      tpu.yield
    }) : () -> ()
    %mul3A_71 = arith.constant 640 : i32
    %mul3A_72 = arith.muli %arg1, %mul3A_71 : i32
    %add3A_73 = arith.constant 384 : i32
    %add3A_74 = arith.addi %mul3A_72, %add3A_73 : i32
    "tpu.region"() ({
      %run_scoped3A = tpu.sem_alloc : memref<!tpu.dma_semaphore, #tpu.memory_space<semaphore_mem>>
      %dma_start3A_94 = arith.constant 0 : i32
      %dma_start3A_95 = tpu.memref_slice %arg24[%add3A_74, %dma_start3A_94] : memref<10240x64xf32, #tpu.memory_space<vmem_shared>> -> memref<128x64xf32, #tpu.memory_space<vmem_shared>>
      %dma_start3A_96 = arith.constant 0 : i32
      %dma_start3A_97 = tpu.memref_slice %arg24[%add3A_74, %dma_start3A_96] : memref<10240x64xf32, #tpu.memory_space<vmem_shared>> -> memref<128x64xf32, #tpu.memory_space<vmem_shared>>
      tpu.enqueue_dma source(%arg13 : memref<128x64xf32, #tpu.memory_space<vmem>>) target(%dma_start3A_97 : memref<128x64xf32, #tpu.memory_space<vmem_shared>>) target_semaphore(%run_scoped3A : memref<!tpu.dma_semaphore, #tpu.memory_space<semaphore_mem>>)
      %dma_wait3A = arith.constant 0 : i32
      %dma_wait3A_98 = tpu.memref_slice %arg24[%add3A_74, %dma_wait3A] : memref<10240x64xf32, #tpu.memory_space<vmem_shared>> -> memref<128x64xf32, #tpu.memory_space<vmem_shared>>
      %dma_wait3A_99 = arith.constant 0 : i32
      %dma_wait3A_100 = tpu.memref_slice %arg24[%add3A_74, %dma_wait3A_99] : memref<10240x64xf32, #tpu.memory_space<vmem_shared>> -> memref<128x64xf32, #tpu.memory_space<vmem_shared>>
      tpu.wait_dma2 semaphore(%run_scoped3A : memref<!tpu.dma_semaphore, #tpu.memory_space<semaphore_mem>>) src(%arg13 : memref<128x64xf32, #tpu.memory_space<vmem>>) dst(%dma_wait3A_100 : memref<128x64xf32, #tpu.memory_space<vmem_shared>>)
      tpu.yield
    }) : () -> ()
    %mul3A_75 = arith.constant 640 : i32
    %mul3A_76 = arith.muli %arg1, %mul3A_75 : i32
    %add3A_77 = arith.constant 512 : i32
    %add3A_78 = arith.addi %mul3A_76, %add3A_77 : i32
    "tpu.region"() ({
      %run_scoped3A = tpu.sem_alloc : memref<!tpu.dma_semaphore, #tpu.memory_space<semaphore_mem>>
      %dma_start3A_94 = arith.constant 0 : i32
      %dma_start3A_95 = tpu.memref_slice %arg24[%add3A_78, %dma_start3A_94] : memref<10240x64xf32, #tpu.memory_space<vmem_shared>> -> memref<128x64xf32, #tpu.memory_space<vmem_shared>>
      %dma_start3A_96 = arith.constant 0 : i32
      %dma_start3A_97 = tpu.memref_slice %arg24[%add3A_78, %dma_start3A_96] : memref<10240x64xf32, #tpu.memory_space<vmem_shared>> -> memref<128x64xf32, #tpu.memory_space<vmem_shared>>
      tpu.enqueue_dma source(%arg13 : memref<128x64xf32, #tpu.memory_space<vmem>>) target(%dma_start3A_97 : memref<128x64xf32, #tpu.memory_space<vmem_shared>>) target_semaphore(%run_scoped3A : memref<!tpu.dma_semaphore, #tpu.memory_space<semaphore_mem>>)
      %dma_wait3A = arith.constant 0 : i32
      %dma_wait3A_98 = tpu.memref_slice %arg24[%add3A_78, %dma_wait3A] : memref<10240x64xf32, #tpu.memory_space<vmem_shared>> -> memref<128x64xf32, #tpu.memory_space<vmem_shared>>
      %dma_wait3A_99 = arith.constant 0 : i32
      %dma_wait3A_100 = tpu.memref_slice %arg24[%add3A_78, %dma_wait3A_99] : memref<10240x64xf32, #tpu.memory_space<vmem_shared>> -> memref<128x64xf32, #tpu.memory_space<vmem_shared>>
      tpu.wait_dma2 semaphore(%run_scoped3A : memref<!tpu.dma_semaphore, #tpu.memory_space<semaphore_mem>>) src(%arg13 : memref<128x64xf32, #tpu.memory_space<vmem>>) dst(%dma_wait3A_100 : memref<128x64xf32, #tpu.memory_space<vmem_shared>>)
      tpu.yield
    }) : () -> ()
    %barrier3A = arith.constant 0 : index
    tpu.barrier barrier_id(%barrier3A)
    %scan3A_79 = arith.constant 0 : i32
    %scan3A_80 = arith.constant 0 : i32
    %scan3A_81 = arith.constant 32 : i32
    %scan3A_82 = arith.addi %scan3A_80, %scan3A_81 : i32
    %scan3A_83 = arith.constant 1 : i32
    %scan3A_84 = scf.for %scan3A_94 = %scan3A_80 to %scan3A_82 step %scan3A_83 iter_args(%scan3A_95 = %scan3A_79) -> (i32)  : i32 {
      %mul3A_96 = arith.constant 5 : i32
      %mul3A_97 = arith.muli %mul3A_96, %scan3A_94 : i32
      %add3A_98 = arith.constant 0 : i32
      %add3A_99 = arith.addi %mul3A_97, %add3A_98 : i32
      %dma_wait3A = arith.constant 0 : i32
      %dma_wait3A_100 = arith.constant 0 : i32
      %dma_wait3A_101 = tpu.memref_slice %arg6[%dma_wait3A, %dma_wait3A_100] : memref<160x125xi32, #tpu.memory_space<vmem>> -> memref<1x125xi32, #tpu.memory_space<vmem>>
      %dma_wait3A_102 = tpu.memref_squeeze %dma_wait3A_101 : memref<1x125xi32, #tpu.memory_space<vmem>> -> memref<125xi32, #tpu.memory_space<vmem>>
      %dma_wait3A_103 = arith.constant 0 : i32
      %dma_wait3A_104 = arith.constant 0 : i32
      %dma_wait3A_105 = tpu.memref_slice %arg2[%arg0, %dma_wait3A_103, %dma_wait3A_104] : memref<2x10240x64xf32, #tpu.memory_space<hbm>> -> memref<1x10240x64xf32, #tpu.memory_space<hbm>>
      %dma_wait3A_106 = tpu.memref_squeeze %dma_wait3A_105 : memref<1x10240x64xf32, #tpu.memory_space<hbm>> -> memref<10240x64xf32, #tpu.memory_space<hbm>>
      %dma_wait3A_107 = arith.constant 0 : i32
      %dma_wait3A_108 = arith.constant 0 : i32
      %dma_wait3A_109 = tpu.memref_slice %dma_wait3A_106[%dma_wait3A_107, %dma_wait3A_108] : memref<10240x64xf32, #tpu.memory_space<hbm>> -> memref<10240x64xf32, #tpu.memory_space<hbm>>
      tpu.wait_indirect_dma semaphore(%arg14 : memref<!tpu.dma_semaphore, #tpu.memory_space<semaphore_mem>>) src(%dma_wait3A_109 : memref<10240x64xf32, #tpu.memory_space<hbm>>) dst(%arg8 : memref<125x64xf32, #tpu.memory_space<vmem>>)
      %dma_start3A_110 = arith.constant 0 : i32
      %dma_start3A_111 = tpu.memref_slice %arg7[%add3A_99, %dma_start3A_110] : memref<160x125xi32, #tpu.memory_space<vmem>> -> memref<1x125xi32, #tpu.memory_space<vmem>>
      %dma_start3A_112 = tpu.memref_squeeze %dma_start3A_111 : memref<1x125xi32, #tpu.memory_space<vmem>> -> memref<125xi32, #tpu.memory_space<vmem>>
      %dma_start3A_113 = arith.constant 0 : i32
      %dma_start3A_114 = arith.constant 0 : i32
      %dma_start3A_115 = tpu.memref_slice %arg24[%dma_start3A_113, %dma_start3A_114] : memref<10240x64xf32, #tpu.memory_space<vmem_shared>> -> memref<10240x64xf32, #tpu.memory_space<vmem_shared>>
      tpu.enqueue_indirect_dma source(%arg8 : memref<125x64xf32, #tpu.memory_space<vmem>>) target(%dma_start3A_115 : memref<10240x64xf32, #tpu.memory_space<vmem_shared>>) offsets(%dma_start3A_112 : memref<125xi32, #tpu.memory_space<vmem>>) semaphore(%arg19 : memref<!tpu.dma_semaphore, #tpu.memory_space<semaphore_mem>>) {add = true}
      %mul3A_116 = arith.constant 5 : i32
      %mul3A_117 = arith.muli %mul3A_116, %scan3A_94 : i32
      %add3A_118 = arith.constant 1 : i32
      %add3A_119 = arith.addi %mul3A_117, %add3A_118 : i32
      %dma_wait3A_120 = arith.constant 0 : i32
      %dma_wait3A_121 = arith.constant 0 : i32
      %dma_wait3A_122 = tpu.memref_slice %arg6[%dma_wait3A_120, %dma_wait3A_121] : memref<160x125xi32, #tpu.memory_space<vmem>> -> memref<1x125xi32, #tpu.memory_space<vmem>>
      %dma_wait3A_123 = tpu.memref_squeeze %dma_wait3A_122 : memref<1x125xi32, #tpu.memory_space<vmem>> -> memref<125xi32, #tpu.memory_space<vmem>>
      %dma_wait3A_124 = arith.constant 0 : i32
      %dma_wait3A_125 = arith.constant 0 : i32
      %dma_wait3A_126 = tpu.memref_slice %arg2[%arg0, %dma_wait3A_124, %dma_wait3A_125] : memref<2x10240x64xf32, #tpu.memory_space<hbm>> -> memref<1x10240x64xf32, #tpu.memory_space<hbm>>
      %dma_wait3A_127 = tpu.memref_squeeze %dma_wait3A_126 : memref<1x10240x64xf32, #tpu.memory_space<hbm>> -> memref<10240x64xf32, #tpu.memory_space<hbm>>
      %dma_wait3A_128 = arith.constant 0 : i32
      %dma_wait3A_129 = arith.constant 0 : i32
      %dma_wait3A_130 = tpu.memref_slice %dma_wait3A_127[%dma_wait3A_128, %dma_wait3A_129] : memref<10240x64xf32, #tpu.memory_space<hbm>> -> memref<10240x64xf32, #tpu.memory_space<hbm>>
      tpu.wait_indirect_dma semaphore(%arg15 : memref<!tpu.dma_semaphore, #tpu.memory_space<semaphore_mem>>) src(%dma_wait3A_130 : memref<10240x64xf32, #tpu.memory_space<hbm>>) dst(%arg9 : memref<125x64xf32, #tpu.memory_space<vmem>>)
      %dma_start3A_131 = arith.constant 0 : i32
      %dma_start3A_132 = tpu.memref_slice %arg7[%add3A_119, %dma_start3A_131] : memref<160x125xi32, #tpu.memory_space<vmem>> -> memref<1x125xi32, #tpu.memory_space<vmem>>
      %dma_start3A_133 = tpu.memref_squeeze %dma_start3A_132 : memref<1x125xi32, #tpu.memory_space<vmem>> -> memref<125xi32, #tpu.memory_space<vmem>>
      %dma_start3A_134 = arith.constant 0 : i32
      %dma_start3A_135 = arith.constant 0 : i32
      %dma_start3A_136 = tpu.memref_slice %arg24[%dma_start3A_134, %dma_start3A_135] : memref<10240x64xf32, #tpu.memory_space<vmem_shared>> -> memref<10240x64xf32, #tpu.memory_space<vmem_shared>>
      tpu.enqueue_indirect_dma source(%arg9 : memref<125x64xf32, #tpu.memory_space<vmem>>) target(%dma_start3A_136 : memref<10240x64xf32, #tpu.memory_space<vmem_shared>>) offsets(%dma_start3A_133 : memref<125xi32, #tpu.memory_space<vmem>>) semaphore(%arg20 : memref<!tpu.dma_semaphore, #tpu.memory_space<semaphore_mem>>) {add = true}
      %mul3A_137 = arith.constant 5 : i32
      %mul3A_138 = arith.muli %mul3A_137, %scan3A_94 : i32
      %add3A_139 = arith.constant 2 : i32
      %add3A_140 = arith.addi %mul3A_138, %add3A_139 : i32
      %dma_wait3A_141 = arith.constant 0 : i32
      %dma_wait3A_142 = arith.constant 0 : i32
      %dma_wait3A_143 = tpu.memref_slice %arg6[%dma_wait3A_141, %dma_wait3A_142] : memref<160x125xi32, #tpu.memory_space<vmem>> -> memref<1x125xi32, #tpu.memory_space<vmem>>
      %dma_wait3A_144 = tpu.memref_squeeze %dma_wait3A_143 : memref<1x125xi32, #tpu.memory_space<vmem>> -> memref<125xi32, #tpu.memory_space<vmem>>
      %dma_wait3A_145 = arith.constant 0 : i32
      %dma_wait3A_146 = arith.constant 0 : i32
      %dma_wait3A_147 = tpu.memref_slice %arg2[%arg0, %dma_wait3A_145, %dma_wait3A_146] : memref<2x10240x64xf32, #tpu.memory_space<hbm>> -> memref<1x10240x64xf32, #tpu.memory_space<hbm>>
      %dma_wait3A_148 = tpu.memref_squeeze %dma_wait3A_147 : memref<1x10240x64xf32, #tpu.memory_space<hbm>> -> memref<10240x64xf32, #tpu.memory_space<hbm>>
      %dma_wait3A_149 = arith.constant 0 : i32
      %dma_wait3A_150 = arith.constant 0 : i32
      %dma_wait3A_151 = tpu.memref_slice %dma_wait3A_148[%dma_wait3A_149, %dma_wait3A_150] : memref<10240x64xf32, #tpu.memory_space<hbm>> -> memref<10240x64xf32, #tpu.memory_space<hbm>>
      tpu.wait_indirect_dma semaphore(%arg16 : memref<!tpu.dma_semaphore, #tpu.memory_space<semaphore_mem>>) src(%dma_wait3A_151 : memref<10240x64xf32, #tpu.memory_space<hbm>>) dst(%arg10 : memref<125x64xf32, #tpu.memory_space<vmem>>)
      %dma_start3A_152 = arith.constant 0 : i32
      %dma_start3A_153 = tpu.memref_slice %arg7[%add3A_140, %dma_start3A_152] : memref<160x125xi32, #tpu.memory_space<vmem>> -> memref<1x125xi32, #tpu.memory_space<vmem>>
      %dma_start3A_154 = tpu.memref_squeeze %dma_start3A_153 : memref<1x125xi32, #tpu.memory_space<vmem>> -> memref<125xi32, #tpu.memory_space<vmem>>
      %dma_start3A_155 = arith.constant 0 : i32
      %dma_start3A_156 = arith.constant 0 : i32
      %dma_start3A_157 = tpu.memref_slice %arg24[%dma_start3A_155, %dma_start3A_156] : memref<10240x64xf32, #tpu.memory_space<vmem_shared>> -> memref<10240x64xf32, #tpu.memory_space<vmem_shared>>
      tpu.enqueue_indirect_dma source(%arg10 : memref<125x64xf32, #tpu.memory_space<vmem>>) target(%dma_start3A_157 : memref<10240x64xf32, #tpu.memory_space<vmem_shared>>) offsets(%dma_start3A_154 : memref<125xi32, #tpu.memory_space<vmem>>) semaphore(%arg21 : memref<!tpu.dma_semaphore, #tpu.memory_space<semaphore_mem>>) {add = true}
      %mul3A_158 = arith.constant 5 : i32
      %mul3A_159 = arith.muli %mul3A_158, %scan3A_94 : i32
      %add3A_160 = arith.constant 3 : i32
      %add3A_161 = arith.addi %mul3A_159, %add3A_160 : i32
      %dma_wait3A_162 = arith.constant 0 : i32
      %dma_wait3A_163 = arith.constant 0 : i32
      %dma_wait3A_164 = tpu.memref_slice %arg6[%dma_wait3A_162, %dma_wait3A_163] : memref<160x125xi32, #tpu.memory_space<vmem>> -> memref<1x125xi32, #tpu.memory_space<vmem>>
      %dma_wait3A_165 = tpu.memref_squeeze %dma_wait3A_164 : memref<1x125xi32, #tpu.memory_space<vmem>> -> memref<125xi32, #tpu.memory_space<vmem>>
      %dma_wait3A_166 = arith.constant 0 : i32
      %dma_wait3A_167 = arith.constant 0 : i32
      %dma_wait3A_168 = tpu.memref_slice %arg2[%arg0, %dma_wait3A_166, %dma_wait3A_167] : memref<2x10240x64xf32, #tpu.memory_space<hbm>> -> memref<1x10240x64xf32, #tpu.memory_space<hbm>>
      %dma_wait3A_169 = tpu.memref_squeeze %dma_wait3A_168 : memref<1x10240x64xf32, #tpu.memory_space<hbm>> -> memref<10240x64xf32, #tpu.memory_space<hbm>>
      %dma_wait3A_170 = arith.constant 0 : i32
      %dma_wait3A_171 = arith.constant 0 : i32
      %dma_wait3A_172 = tpu.memref_slice %dma_wait3A_169[%dma_wait3A_170, %dma_wait3A_171] : memref<10240x64xf32, #tpu.memory_space<hbm>> -> memref<10240x64xf32, #tpu.memory_space<hbm>>
      tpu.wait_indirect_dma semaphore(%arg17 : memref<!tpu.dma_semaphore, #tpu.memory_space<semaphore_mem>>) src(%dma_wait3A_172 : memref<10240x64xf32, #tpu.memory_space<hbm>>) dst(%arg11 : memref<125x64xf32, #tpu.memory_space<vmem>>)
      %dma_start3A_173 = arith.constant 0 : i32
      %dma_start3A_174 = tpu.memref_slice %arg7[%add3A_161, %dma_start3A_173] : memref<160x125xi32, #tpu.memory_space<vmem>> -> memref<1x125xi32, #tpu.memory_space<vmem>>
      %dma_start3A_175 = tpu.memref_squeeze %dma_start3A_174 : memref<1x125xi32, #tpu.memory_space<vmem>> -> memref<125xi32, #tpu.memory_space<vmem>>
      %dma_start3A_176 = arith.constant 0 : i32
      %dma_start3A_177 = arith.constant 0 : i32
      %dma_start3A_178 = tpu.memref_slice %arg24[%dma_start3A_176, %dma_start3A_177] : memref<10240x64xf32, #tpu.memory_space<vmem_shared>> -> memref<10240x64xf32, #tpu.memory_space<vmem_shared>>
      tpu.enqueue_indirect_dma source(%arg11 : memref<125x64xf32, #tpu.memory_space<vmem>>) target(%dma_start3A_178 : memref<10240x64xf32, #tpu.memory_space<vmem_shared>>) offsets(%dma_start3A_175 : memref<125xi32, #tpu.memory_space<vmem>>) semaphore(%arg22 : memref<!tpu.dma_semaphore, #tpu.memory_space<semaphore_mem>>) {add = true}
      %mul3A_179 = arith.constant 5 : i32
      %mul3A_180 = arith.muli %mul3A_179, %scan3A_94 : i32
      %add3A_181 = arith.constant 4 : i32
      %add3A_182 = arith.addi %mul3A_180, %add3A_181 : i32
      %dma_wait3A_183 = arith.constant 0 : i32
      %dma_wait3A_184 = arith.constant 0 : i32
      %dma_wait3A_185 = tpu.memref_slice %arg6[%dma_wait3A_183, %dma_wait3A_184] : memref<160x125xi32, #tpu.memory_space<vmem>> -> memref<1x125xi32, #tpu.memory_space<vmem>>
      %dma_wait3A_186 = tpu.memref_squeeze %dma_wait3A_185 : memref<1x125xi32, #tpu.memory_space<vmem>> -> memref<125xi32, #tpu.memory_space<vmem>>
      %dma_wait3A_187 = arith.constant 0 : i32
      %dma_wait3A_188 = arith.constant 0 : i32
      %dma_wait3A_189 = tpu.memref_slice %arg2[%arg0, %dma_wait3A_187, %dma_wait3A_188] : memref<2x10240x64xf32, #tpu.memory_space<hbm>> -> memref<1x10240x64xf32, #tpu.memory_space<hbm>>
      %dma_wait3A_190 = tpu.memref_squeeze %dma_wait3A_189 : memref<1x10240x64xf32, #tpu.memory_space<hbm>> -> memref<10240x64xf32, #tpu.memory_space<hbm>>
      %dma_wait3A_191 = arith.constant 0 : i32
      %dma_wait3A_192 = arith.constant 0 : i32
      %dma_wait3A_193 = tpu.memref_slice %dma_wait3A_190[%dma_wait3A_191, %dma_wait3A_192] : memref<10240x64xf32, #tpu.memory_space<hbm>> -> memref<10240x64xf32, #tpu.memory_space<hbm>>
      tpu.wait_indirect_dma semaphore(%arg18 : memref<!tpu.dma_semaphore, #tpu.memory_space<semaphore_mem>>) src(%dma_wait3A_193 : memref<10240x64xf32, #tpu.memory_space<hbm>>) dst(%arg12 : memref<125x64xf32, #tpu.memory_space<vmem>>)
      %dma_start3A_194 = arith.constant 0 : i32
      %dma_start3A_195 = tpu.memref_slice %arg7[%add3A_182, %dma_start3A_194] : memref<160x125xi32, #tpu.memory_space<vmem>> -> memref<1x125xi32, #tpu.memory_space<vmem>>
      %dma_start3A_196 = tpu.memref_squeeze %dma_start3A_195 : memref<1x125xi32, #tpu.memory_space<vmem>> -> memref<125xi32, #tpu.memory_space<vmem>>
      %dma_start3A_197 = arith.constant 0 : i32
      %dma_start3A_198 = arith.constant 0 : i32
      %dma_start3A_199 = tpu.memref_slice %arg24[%dma_start3A_197, %dma_start3A_198] : memref<10240x64xf32, #tpu.memory_space<vmem_shared>> -> memref<10240x64xf32, #tpu.memory_space<vmem_shared>>
      tpu.enqueue_indirect_dma source(%arg12 : memref<125x64xf32, #tpu.memory_space<vmem>>) target(%dma_start3A_199 : memref<10240x64xf32, #tpu.memory_space<vmem_shared>>) offsets(%dma_start3A_196 : memref<125xi32, #tpu.memory_space<vmem>>) semaphore(%arg23 : memref<!tpu.dma_semaphore, #tpu.memory_space<semaphore_mem>>) {add = true}
      %add3A_200 = arith.constant 1 : i32
      %add3A_201 = arith.addi %scan3A_94, %add3A_200 : i32
      %mul3A_202 = arith.constant 5 : i32
      %mul3A_203 = arith.muli %mul3A_202, %add3A_201 : i32
      %add3A_204 = arith.constant 0 : i32
      %add3A_205 = arith.addi %mul3A_203, %add3A_204 : i32
      %dma_wait3A_206 = arith.constant 0 : i32
      %dma_wait3A_207 = arith.constant 0 : i32
      %dma_wait3A_208 = tpu.memref_slice %arg7[%dma_wait3A_206, %dma_wait3A_207] : memref<160x125xi32, #tpu.memory_space<vmem>> -> memref<1x125xi32, #tpu.memory_space<vmem>>
      %dma_wait3A_209 = tpu.memref_squeeze %dma_wait3A_208 : memref<1x125xi32, #tpu.memory_space<vmem>> -> memref<125xi32, #tpu.memory_space<vmem>>
      %dma_wait3A_210 = arith.constant 0 : i32
      %dma_wait3A_211 = arith.constant 0 : i32
      %dma_wait3A_212 = tpu.memref_slice %arg24[%dma_wait3A_210, %dma_wait3A_211] : memref<10240x64xf32, #tpu.memory_space<vmem_shared>> -> memref<10240x64xf32, #tpu.memory_space<vmem_shared>>
      tpu.wait_indirect_dma semaphore(%arg19 : memref<!tpu.dma_semaphore, #tpu.memory_space<semaphore_mem>>) src(%arg8 : memref<125x64xf32, #tpu.memory_space<vmem>>) dst(%dma_wait3A_212 : memref<10240x64xf32, #tpu.memory_space<vmem_shared>>)
      %lt3A = arith.constant 160 : i32
      %lt3A_213 = arith.cmpi slt, %add3A_205, %lt3A : i32
      %convert_element_type3A = arith.extui %lt3A_213 : i1 to i32
      %cond3A = arith.constant 0 : i32
      %cond3A_214 = arith.cmpi ne, %convert_element_type3A, %cond3A : i32
      scf.if %cond3A_214 {
        %dma_start3A_288 = arith.constant 0 : i32
        %dma_start3A_289 = tpu.memref_slice %arg6[%add3A_205, %dma_start3A_288] : memref<160x125xi32, #tpu.memory_space<vmem>> -> memref<1x125xi32, #tpu.memory_space<vmem>>
        %dma_start3A_290 = tpu.memref_squeeze %dma_start3A_289 : memref<1x125xi32, #tpu.memory_space<vmem>> -> memref<125xi32, #tpu.memory_space<vmem>>
        %dma_start3A_291 = arith.constant 0 : i32
        %dma_start3A_292 = arith.constant 0 : i32
        %dma_start3A_293 = tpu.memref_slice %arg2[%arg0, %dma_start3A_291, %dma_start3A_292] : memref<2x10240x64xf32, #tpu.memory_space<hbm>> -> memref<1x10240x64xf32, #tpu.memory_space<hbm>>
        %dma_start3A_294 = tpu.memref_squeeze %dma_start3A_293 : memref<1x10240x64xf32, #tpu.memory_space<hbm>> -> memref<10240x64xf32, #tpu.memory_space<hbm>>
        %dma_start3A_295 = arith.constant 0 : i32
        %dma_start3A_296 = arith.constant 0 : i32
        %dma_start3A_297 = tpu.memref_slice %dma_start3A_294[%dma_start3A_295, %dma_start3A_296] : memref<10240x64xf32, #tpu.memory_space<hbm>> -> memref<10240x64xf32, #tpu.memory_space<hbm>>
        tpu.enqueue_indirect_dma source(%dma_start3A_297 : memref<10240x64xf32, #tpu.memory_space<hbm>>) target(%arg8 : memref<125x64xf32, #tpu.memory_space<vmem>>) offsets(%dma_start3A_290 : memref<125xi32, #tpu.memory_space<vmem>>) semaphore(%arg14 : memref<!tpu.dma_semaphore, #tpu.memory_space<semaphore_mem>>)
      } else {
      }
      %add3A_215 = arith.constant 1 : i32
      %add3A_216 = arith.addi %scan3A_94, %add3A_215 : i32
      %mul3A_217 = arith.constant 5 : i32
      %mul3A_218 = arith.muli %mul3A_217, %add3A_216 : i32
      %add3A_219 = arith.constant 1 : i32
      %add3A_220 = arith.addi %mul3A_218, %add3A_219 : i32
      %dma_wait3A_221 = arith.constant 0 : i32
      %dma_wait3A_222 = arith.constant 0 : i32
      %dma_wait3A_223 = tpu.memref_slice %arg7[%dma_wait3A_221, %dma_wait3A_222] : memref<160x125xi32, #tpu.memory_space<vmem>> -> memref<1x125xi32, #tpu.memory_space<vmem>>
      %dma_wait3A_224 = tpu.memref_squeeze %dma_wait3A_223 : memref<1x125xi32, #tpu.memory_space<vmem>> -> memref<125xi32, #tpu.memory_space<vmem>>
      %dma_wait3A_225 = arith.constant 0 : i32
      %dma_wait3A_226 = arith.constant 0 : i32
      %dma_wait3A_227 = tpu.memref_slice %arg24[%dma_wait3A_225, %dma_wait3A_226] : memref<10240x64xf32, #tpu.memory_space<vmem_shared>> -> memref<10240x64xf32, #tpu.memory_space<vmem_shared>>
      tpu.wait_indirect_dma semaphore(%arg20 : memref<!tpu.dma_semaphore, #tpu.memory_space<semaphore_mem>>) src(%arg9 : memref<125x64xf32, #tpu.memory_space<vmem>>) dst(%dma_wait3A_227 : memref<10240x64xf32, #tpu.memory_space<vmem_shared>>)
      %lt3A_228 = arith.constant 160 : i32
      %lt3A_229 = arith.cmpi slt, %add3A_220, %lt3A_228 : i32
      %convert_element_type3A_230 = arith.extui %lt3A_229 : i1 to i32
      %cond3A_231 = arith.constant 0 : i32
      %cond3A_232 = arith.cmpi ne, %convert_element_type3A_230, %cond3A_231 : i32
      scf.if %cond3A_232 {
        %dma_start3A_288 = arith.constant 0 : i32
        %dma_start3A_289 = tpu.memref_slice %arg6[%add3A_220, %dma_start3A_288] : memref<160x125xi32, #tpu.memory_space<vmem>> -> memref<1x125xi32, #tpu.memory_space<vmem>>
        %dma_start3A_290 = tpu.memref_squeeze %dma_start3A_289 : memref<1x125xi32, #tpu.memory_space<vmem>> -> memref<125xi32, #tpu.memory_space<vmem>>
        %dma_start3A_291 = arith.constant 0 : i32
        %dma_start3A_292 = arith.constant 0 : i32
        %dma_start3A_293 = tpu.memref_slice %arg2[%arg0, %dma_start3A_291, %dma_start3A_292] : memref<2x10240x64xf32, #tpu.memory_space<hbm>> -> memref<1x10240x64xf32, #tpu.memory_space<hbm>>
        %dma_start3A_294 = tpu.memref_squeeze %dma_start3A_293 : memref<1x10240x64xf32, #tpu.memory_space<hbm>> -> memref<10240x64xf32, #tpu.memory_space<hbm>>
        %dma_start3A_295 = arith.constant 0 : i32
        %dma_start3A_296 = arith.constant 0 : i32
        %dma_start3A_297 = tpu.memref_slice %dma_start3A_294[%dma_start3A_295, %dma_start3A_296] : memref<10240x64xf32, #tpu.memory_space<hbm>> -> memref<10240x64xf32, #tpu.memory_space<hbm>>
        tpu.enqueue_indirect_dma source(%dma_start3A_297 : memref<10240x64xf32, #tpu.memory_space<hbm>>) target(%arg9 : memref<125x64xf32, #tpu.memory_space<vmem>>) offsets(%dma_start3A_290 : memref<125xi32, #tpu.memory_space<vmem>>) semaphore(%arg15 : memref<!tpu.dma_semaphore, #tpu.memory_space<semaphore_mem>>)
      } else {
      }
      %add3A_233 = arith.constant 1 : i32
      %add3A_234 = arith.addi %scan3A_94, %add3A_233 : i32
      %mul3A_235 = arith.constant 5 : i32
      %mul3A_236 = arith.muli %mul3A_235, %add3A_234 : i32
      %add3A_237 = arith.constant 2 : i32
      %add3A_238 = arith.addi %mul3A_236, %add3A_237 : i32
      %dma_wait3A_239 = arith.constant 0 : i32
      %dma_wait3A_240 = arith.constant 0 : i32
      %dma_wait3A_241 = tpu.memref_slice %arg7[%dma_wait3A_239, %dma_wait3A_240] : memref<160x125xi32, #tpu.memory_space<vmem>> -> memref<1x125xi32, #tpu.memory_space<vmem>>
      %dma_wait3A_242 = tpu.memref_squeeze %dma_wait3A_241 : memref<1x125xi32, #tpu.memory_space<vmem>> -> memref<125xi32, #tpu.memory_space<vmem>>
      %dma_wait3A_243 = arith.constant 0 : i32
      %dma_wait3A_244 = arith.constant 0 : i32
      %dma_wait3A_245 = tpu.memref_slice %arg24[%dma_wait3A_243, %dma_wait3A_244] : memref<10240x64xf32, #tpu.memory_space<vmem_shared>> -> memref<10240x64xf32, #tpu.memory_space<vmem_shared>>
      tpu.wait_indirect_dma semaphore(%arg21 : memref<!tpu.dma_semaphore, #tpu.memory_space<semaphore_mem>>) src(%arg10 : memref<125x64xf32, #tpu.memory_space<vmem>>) dst(%dma_wait3A_245 : memref<10240x64xf32, #tpu.memory_space<vmem_shared>>)
      %lt3A_246 = arith.constant 160 : i32
      %lt3A_247 = arith.cmpi slt, %add3A_238, %lt3A_246 : i32
      %convert_element_type3A_248 = arith.extui %lt3A_247 : i1 to i32
      %cond3A_249 = arith.constant 0 : i32
      %cond3A_250 = arith.cmpi ne, %convert_element_type3A_248, %cond3A_249 : i32
      scf.if %cond3A_250 {
        %dma_start3A_288 = arith.constant 0 : i32
        %dma_start3A_289 = tpu.memref_slice %arg6[%add3A_238, %dma_start3A_288] : memref<160x125xi32, #tpu.memory_space<vmem>> -> memref<1x125xi32, #tpu.memory_space<vmem>>
        %dma_start3A_290 = tpu.memref_squeeze %dma_start3A_289 : memref<1x125xi32, #tpu.memory_space<vmem>> -> memref<125xi32, #tpu.memory_space<vmem>>
        %dma_start3A_291 = arith.constant 0 : i32
        %dma_start3A_292 = arith.constant 0 : i32
        %dma_start3A_293 = tpu.memref_slice %arg2[%arg0, %dma_start3A_291, %dma_start3A_292] : memref<2x10240x64xf32, #tpu.memory_space<hbm>> -> memref<1x10240x64xf32, #tpu.memory_space<hbm>>
        %dma_start3A_294 = tpu.memref_squeeze %dma_start3A_293 : memref<1x10240x64xf32, #tpu.memory_space<hbm>> -> memref<10240x64xf32, #tpu.memory_space<hbm>>
        %dma_start3A_295 = arith.constant 0 : i32
        %dma_start3A_296 = arith.constant 0 : i32
        %dma_start3A_297 = tpu.memref_slice %dma_start3A_294[%dma_start3A_295, %dma_start3A_296] : memref<10240x64xf32, #tpu.memory_space<hbm>> -> memref<10240x64xf32, #tpu.memory_space<hbm>>
        tpu.enqueue_indirect_dma source(%dma_start3A_297 : memref<10240x64xf32, #tpu.memory_space<hbm>>) target(%arg10 : memref<125x64xf32, #tpu.memory_space<vmem>>) offsets(%dma_start3A_290 : memref<125xi32, #tpu.memory_space<vmem>>) semaphore(%arg16 : memref<!tpu.dma_semaphore, #tpu.memory_space<semaphore_mem>>)
      } else {
      }
      %add3A_251 = arith.constant 1 : i32
      %add3A_252 = arith.addi %scan3A_94, %add3A_251 : i32
      %mul3A_253 = arith.constant 5 : i32
      %mul3A_254 = arith.muli %mul3A_253, %add3A_252 : i32
      %add3A_255 = arith.constant 3 : i32
      %add3A_256 = arith.addi %mul3A_254, %add3A_255 : i32
      %dma_wait3A_257 = arith.constant 0 : i32
      %dma_wait3A_258 = arith.constant 0 : i32
      %dma_wait3A_259 = tpu.memref_slice %arg7[%dma_wait3A_257, %dma_wait3A_258] : memref<160x125xi32, #tpu.memory_space<vmem>> -> memref<1x125xi32, #tpu.memory_space<vmem>>
      %dma_wait3A_260 = tpu.memref_squeeze %dma_wait3A_259 : memref<1x125xi32, #tpu.memory_space<vmem>> -> memref<125xi32, #tpu.memory_space<vmem>>
      %dma_wait3A_261 = arith.constant 0 : i32
      %dma_wait3A_262 = arith.constant 0 : i32
      %dma_wait3A_263 = tpu.memref_slice %arg24[%dma_wait3A_261, %dma_wait3A_262] : memref<10240x64xf32, #tpu.memory_space<vmem_shared>> -> memref<10240x64xf32, #tpu.memory_space<vmem_shared>>
      tpu.wait_indirect_dma semaphore(%arg22 : memref<!tpu.dma_semaphore, #tpu.memory_space<semaphore_mem>>) src(%arg11 : memref<125x64xf32, #tpu.memory_space<vmem>>) dst(%dma_wait3A_263 : memref<10240x64xf32, #tpu.memory_space<vmem_shared>>)
      %lt3A_264 = arith.constant 160 : i32
      %lt3A_265 = arith.cmpi slt, %add3A_256, %lt3A_264 : i32
      %convert_element_type3A_266 = arith.extui %lt3A_265 : i1 to i32
      %cond3A_267 = arith.constant 0 : i32
      %cond3A_268 = arith.cmpi ne, %convert_element_type3A_266, %cond3A_267 : i32
      scf.if %cond3A_268 {
        %dma_start3A_288 = arith.constant 0 : i32
        %dma_start3A_289 = tpu.memref_slice %arg6[%add3A_256, %dma_start3A_288] : memref<160x125xi32, #tpu.memory_space<vmem>> -> memref<1x125xi32, #tpu.memory_space<vmem>>
        %dma_start3A_290 = tpu.memref_squeeze %dma_start3A_289 : memref<1x125xi32, #tpu.memory_space<vmem>> -> memref<125xi32, #tpu.memory_space<vmem>>
        %dma_start3A_291 = arith.constant 0 : i32
        %dma_start3A_292 = arith.constant 0 : i32
        %dma_start3A_293 = tpu.memref_slice %arg2[%arg0, %dma_start3A_291, %dma_start3A_292] : memref<2x10240x64xf32, #tpu.memory_space<hbm>> -> memref<1x10240x64xf32, #tpu.memory_space<hbm>>
        %dma_start3A_294 = tpu.memref_squeeze %dma_start3A_293 : memref<1x10240x64xf32, #tpu.memory_space<hbm>> -> memref<10240x64xf32, #tpu.memory_space<hbm>>
        %dma_start3A_295 = arith.constant 0 : i32
        %dma_start3A_296 = arith.constant 0 : i32
        %dma_start3A_297 = tpu.memref_slice %dma_start3A_294[%dma_start3A_295, %dma_start3A_296] : memref<10240x64xf32, #tpu.memory_space<hbm>> -> memref<10240x64xf32, #tpu.memory_space<hbm>>
        tpu.enqueue_indirect_dma source(%dma_start3A_297 : memref<10240x64xf32, #tpu.memory_space<hbm>>) target(%arg11 : memref<125x64xf32, #tpu.memory_space<vmem>>) offsets(%dma_start3A_290 : memref<125xi32, #tpu.memory_space<vmem>>) semaphore(%arg17 : memref<!tpu.dma_semaphore, #tpu.memory_space<semaphore_mem>>)
      } else {
      }
      %add3A_269 = arith.constant 1 : i32
      %add3A_270 = arith.addi %scan3A_94, %add3A_269 : i32
      %mul3A_271 = arith.constant 5 : i32
      %mul3A_272 = arith.muli %mul3A_271, %add3A_270 : i32
      %add3A_273 = arith.constant 4 : i32
      %add3A_274 = arith.addi %mul3A_272, %add3A_273 : i32
      %dma_wait3A_275 = arith.constant 0 : i32
      %dma_wait3A_276 = arith.constant 0 : i32
      %dma_wait3A_277 = tpu.memref_slice %arg7[%dma_wait3A_275, %dma_wait3A_276] : memref<160x125xi32, #tpu.memory_space<vmem>> -> memref<1x125xi32, #tpu.memory_space<vmem>>
      %dma_wait3A_278 = tpu.memref_squeeze %dma_wait3A_277 : memref<1x125xi32, #tpu.memory_space<vmem>> -> memref<125xi32, #tpu.memory_space<vmem>>
      %dma_wait3A_279 = arith.constant 0 : i32
      %dma_wait3A_280 = arith.constant 0 : i32
      %dma_wait3A_281 = tpu.memref_slice %arg24[%dma_wait3A_279, %dma_wait3A_280] : memref<10240x64xf32, #tpu.memory_space<vmem_shared>> -> memref<10240x64xf32, #tpu.memory_space<vmem_shared>>
      tpu.wait_indirect_dma semaphore(%arg23 : memref<!tpu.dma_semaphore, #tpu.memory_space<semaphore_mem>>) src(%arg12 : memref<125x64xf32, #tpu.memory_space<vmem>>) dst(%dma_wait3A_281 : memref<10240x64xf32, #tpu.memory_space<vmem_shared>>)
      %lt3A_282 = arith.constant 160 : i32
      %lt3A_283 = arith.cmpi slt, %add3A_274, %lt3A_282 : i32
      %convert_element_type3A_284 = arith.extui %lt3A_283 : i1 to i32
      %cond3A_285 = arith.constant 0 : i32
      %cond3A_286 = arith.cmpi ne, %convert_element_type3A_284, %cond3A_285 : i32
      scf.if %cond3A_286 {
        %dma_start3A_288 = arith.constant 0 : i32
        %dma_start3A_289 = tpu.memref_slice %arg6[%add3A_274, %dma_start3A_288] : memref<160x125xi32, #tpu.memory_space<vmem>> -> memref<1x125xi32, #tpu.memory_space<vmem>>
        %dma_start3A_290 = tpu.memref_squeeze %dma_start3A_289 : memref<1x125xi32, #tpu.memory_space<vmem>> -> memref<125xi32, #tpu.memory_space<vmem>>
        %dma_start3A_291 = arith.constant 0 : i32
        %dma_start3A_292 = arith.constant 0 : i32
        %dma_start3A_293 = tpu.memref_slice %arg2[%arg0, %dma_start3A_291, %dma_start3A_292] : memref<2x10240x64xf32, #tpu.memory_space<hbm>> -> memref<1x10240x64xf32, #tpu.memory_space<hbm>>
        %dma_start3A_294 = tpu.memref_squeeze %dma_start3A_293 : memref<1x10240x64xf32, #tpu.memory_space<hbm>> -> memref<10240x64xf32, #tpu.memory_space<hbm>>
        %dma_start3A_295 = arith.constant 0 : i32
        %dma_start3A_296 = arith.constant 0 : i32
        %dma_start3A_297 = tpu.memref_slice %dma_start3A_294[%dma_start3A_295, %dma_start3A_296] : memref<10240x64xf32, #tpu.memory_space<hbm>> -> memref<10240x64xf32, #tpu.memory_space<hbm>>
        tpu.enqueue_indirect_dma source(%dma_start3A_297 : memref<10240x64xf32, #tpu.memory_space<hbm>>) target(%arg12 : memref<125x64xf32, #tpu.memory_space<vmem>>) offsets(%dma_start3A_290 : memref<125xi32, #tpu.memory_space<vmem>>) semaphore(%arg18 : memref<!tpu.dma_semaphore, #tpu.memory_space<semaphore_mem>>)
      } else {
      }
      %scan3A_287 = arith.constant 0 : i32
      scf.yield %scan3A_287 : i32
    }
    %scan3A_85 = arith.constant 32 : i32
    %barrier3A_86 = arith.constant 0 : index
    tpu.barrier barrier_id(%barrier3A_86)
    %mul3A_87 = arith.constant 640 : i32
    %mul3A_88 = arith.muli %arg1, %mul3A_87 : i32
    %mul3A_89 = arith.constant 10240 : i32
    %mul3A_90 = arith.muli %arg0, %mul3A_89 : i32
    %mul3A_91 = arith.constant 640 : i32
    %mul3A_92 = arith.muli %arg1, %mul3A_91 : i32
    %add3A_93 = arith.addi %mul3A_90, %mul3A_92 : i32
    "tpu.region"() ({
      %run_scoped3A = tpu.sem_alloc : memref<!tpu.dma_semaphore, #tpu.memory_space<semaphore_mem>>
      %dma_start3A_94 = arith.constant 0 : i32
      %dma_start3A_95 = tpu.memref_slice %arg5[%add3A_93, %dma_start3A_94] : memref<20480x64xf32, #tpu.memory_space<hbm>> -> memref<640x64xf32, #tpu.memory_space<hbm>>
      %dma_start3A_96 = arith.constant 0 : i32
      %dma_start3A_97 = tpu.memref_slice %arg24[%mul3A_88, %dma_start3A_96] : memref<10240x64xf32, #tpu.memory_space<vmem_shared>> -> memref<640x64xf32, #tpu.memory_space<vmem_shared>>
      tpu.enqueue_dma source(%dma_start3A_97 : memref<640x64xf32, #tpu.memory_space<vmem_shared>>) target(%dma_start3A_95 : memref<640x64xf32, #tpu.memory_space<hbm>>) target_semaphore(%run_scoped3A : memref<!tpu.dma_semaphore, #tpu.memory_space<semaphore_mem>>)
      %dma_wait3A = arith.constant 0 : i32
      %dma_wait3A_98 = tpu.memref_slice %arg5[%add3A_93, %dma_wait3A] : memref<20480x64xf32, #tpu.memory_space<hbm>> -> memref<640x64xf32, #tpu.memory_space<hbm>>
      %dma_wait3A_99 = arith.constant 0 : i32
      %dma_wait3A_100 = tpu.memref_slice %arg24[%mul3A_88, %dma_wait3A_99] : memref<10240x64xf32, #tpu.memory_space<vmem_shared>> -> memref<640x64xf32, #tpu.memory_space<vmem_shared>>
      tpu.wait_dma2 semaphore(%run_scoped3A : memref<!tpu.dma_semaphore, #tpu.memory_space<semaphore_mem>>) src(%dma_wait3A_100 : memref<640x64xf32, #tpu.memory_space<vmem_shared>>) dst(%dma_wait3A_98 : memref<640x64xf32, #tpu.memory_space<hbm>>)
      tpu.yield
    }) : () -> ()
    return
  }
}

#map = affine_map<(d0, d1) -> (0, 0, 0)>
module attributes {stable_mosaic.version = 14 : i64} {
  func.func @_deg_body(%arg0: i32, %arg1: i32, %arg2: memref<32x80x125xi32, #tpu.memory_space<hbm>>, %arg3: memref<2560x125x16xf32, #tpu.memory_space<hbm>>, %arg4: memref<2x640x16xf32, #tpu.memory_space<hbm>>, %arg5: memref<80x125xi32, #tpu.memory_space<vmem>>, %arg6: memref<125x16xf32, #tpu.memory_space<vmem>>, %arg7: memref<125x16xf32, #tpu.memory_space<vmem>>, %arg8: memref<40x16xf32, #tpu.memory_space<vmem>>, %arg9: memref<!tpu.dma_semaphore, #tpu.memory_space<semaphore_mem>>, %arg10: memref<!tpu.dma_semaphore, #tpu.memory_space<semaphore_mem>>, %arg11: memref<!tpu.dma_semaphore, #tpu.memory_space<semaphore_mem>>, %arg12: memref<!tpu.dma_semaphore, #tpu.memory_space<semaphore_mem>>, %arg13: memref<640x16xf32, #tpu.memory_space<vmem_shared>>) attributes {dimension_semantics = [#tpu.dimension_semantics<core_parallel>, #tpu.dimension_semantics<subcore_parallel>], iteration_bounds = array<i64: 2, 16>, scalar_prefetch = 0 : i64, scratch_operands = 9 : i64, tpu.core_type = #tpu.core_type<sc_vector_subcore>, window_params = [{transform_indices = #map}, {transform_indices = #map}, {transform_indices = #map}]} {
    %mul3A = arith.constant 16 : i32
    %mul3A_0 = arith.muli %arg0, %mul3A : i32
    %add3A = arith.addi %mul3A_0, %arg1 : i32
    "tpu.region"() ({
      %run_scoped3A = tpu.sem_alloc : memref<!tpu.dma_semaphore, #tpu.memory_space<semaphore_mem>>
      %dma_start3A_43 = arith.constant 0 : i32
      %dma_start3A_44 = arith.constant 0 : i32
      %dma_start3A_45 = tpu.memref_slice %arg2[%add3A, %dma_start3A_43, %dma_start3A_44] : memref<32x80x125xi32, #tpu.memory_space<hbm>> -> memref<1x80x125xi32, #tpu.memory_space<hbm>>
      %dma_start3A_46 = tpu.memref_squeeze %dma_start3A_45 : memref<1x80x125xi32, #tpu.memory_space<hbm>> -> memref<80x125xi32, #tpu.memory_space<hbm>>
      %dma_start3A_47 = arith.constant 0 : i32
      %dma_start3A_48 = arith.constant 0 : i32
      %dma_start3A_49 = tpu.memref_slice %arg2[%add3A, %dma_start3A_47, %dma_start3A_48] : memref<32x80x125xi32, #tpu.memory_space<hbm>> -> memref<1x80x125xi32, #tpu.memory_space<hbm>>
      %dma_start3A_50 = tpu.memref_squeeze %dma_start3A_49 : memref<1x80x125xi32, #tpu.memory_space<hbm>> -> memref<80x125xi32, #tpu.memory_space<hbm>>
      tpu.enqueue_dma source(%dma_start3A_50 : memref<80x125xi32, #tpu.memory_space<hbm>>) target(%arg5 : memref<80x125xi32, #tpu.memory_space<vmem>>) target_semaphore(%run_scoped3A : memref<!tpu.dma_semaphore, #tpu.memory_space<semaphore_mem>>)
      %dma_wait3A = arith.constant 0 : i32
      %dma_wait3A_51 = arith.constant 0 : i32
      %dma_wait3A_52 = tpu.memref_slice %arg2[%add3A, %dma_wait3A, %dma_wait3A_51] : memref<32x80x125xi32, #tpu.memory_space<hbm>> -> memref<1x80x125xi32, #tpu.memory_space<hbm>>
      %dma_wait3A_53 = tpu.memref_squeeze %dma_wait3A_52 : memref<1x80x125xi32, #tpu.memory_space<hbm>> -> memref<80x125xi32, #tpu.memory_space<hbm>>
      %dma_wait3A_54 = arith.constant 0 : i32
      %dma_wait3A_55 = arith.constant 0 : i32
      %dma_wait3A_56 = tpu.memref_slice %arg2[%add3A, %dma_wait3A_54, %dma_wait3A_55] : memref<32x80x125xi32, #tpu.memory_space<hbm>> -> memref<1x80x125xi32, #tpu.memory_space<hbm>>
      %dma_wait3A_57 = tpu.memref_squeeze %dma_wait3A_56 : memref<1x80x125xi32, #tpu.memory_space<hbm>> -> memref<80x125xi32, #tpu.memory_space<hbm>>
      tpu.wait_dma2 semaphore(%run_scoped3A : memref<!tpu.dma_semaphore, #tpu.memory_space<semaphore_mem>>) src(%dma_wait3A_57 : memref<80x125xi32, #tpu.memory_space<hbm>>) dst(%arg5 : memref<80x125xi32, #tpu.memory_space<vmem>>)
      tpu.yield
    }) : () -> ()
    %mul3A_1 = arith.constant 80 : i32
    %mul3A_2 = arith.muli %add3A, %mul3A_1 : i32
    %add3A_3 = arith.constant 0 : i32
    %add3A_4 = arith.addi %mul3A_2, %add3A_3 : i32
    %dma_start3A = arith.constant 0 : i32
    %dma_start3A_5 = arith.constant 0 : i32
    %dma_start3A_6 = tpu.memref_slice %arg3[%add3A_4, %dma_start3A, %dma_start3A_5] : memref<2560x125x16xf32, #tpu.memory_space<hbm>> -> memref<1x125x16xf32, #tpu.memory_space<hbm>>
    %dma_start3A_7 = tpu.memref_squeeze %dma_start3A_6 : memref<1x125x16xf32, #tpu.memory_space<hbm>> -> memref<125x16xf32, #tpu.memory_space<hbm>>
    %dma_start3A_8 = arith.constant 0 : i32
    %dma_start3A_9 = arith.constant 0 : i32
    %dma_start3A_10 = tpu.memref_slice %arg3[%add3A_4, %dma_start3A_8, %dma_start3A_9] : memref<2560x125x16xf32, #tpu.memory_space<hbm>> -> memref<1x125x16xf32, #tpu.memory_space<hbm>>
    %dma_start3A_11 = tpu.memref_squeeze %dma_start3A_10 : memref<1x125x16xf32, #tpu.memory_space<hbm>> -> memref<125x16xf32, #tpu.memory_space<hbm>>
    tpu.enqueue_dma source(%dma_start3A_11 : memref<125x16xf32, #tpu.memory_space<hbm>>) target(%arg6 : memref<125x16xf32, #tpu.memory_space<vmem>>) target_semaphore(%arg9 : memref<!tpu.dma_semaphore, #tpu.memory_space<semaphore_mem>>)
    %mul3A_12 = arith.constant 80 : i32
    %mul3A_13 = arith.muli %add3A, %mul3A_12 : i32
    %add3A_14 = arith.constant 1 : i32
    %add3A_15 = arith.addi %mul3A_13, %add3A_14 : i32
    %dma_start3A_16 = arith.constant 0 : i32
    %dma_start3A_17 = arith.constant 0 : i32
    %dma_start3A_18 = tpu.memref_slice %arg3[%add3A_15, %dma_start3A_16, %dma_start3A_17] : memref<2560x125x16xf32, #tpu.memory_space<hbm>> -> memref<1x125x16xf32, #tpu.memory_space<hbm>>
    %dma_start3A_19 = tpu.memref_squeeze %dma_start3A_18 : memref<1x125x16xf32, #tpu.memory_space<hbm>> -> memref<125x16xf32, #tpu.memory_space<hbm>>
    %dma_start3A_20 = arith.constant 0 : i32
    %dma_start3A_21 = arith.constant 0 : i32
    %dma_start3A_22 = tpu.memref_slice %arg3[%add3A_15, %dma_start3A_20, %dma_start3A_21] : memref<2560x125x16xf32, #tpu.memory_space<hbm>> -> memref<1x125x16xf32, #tpu.memory_space<hbm>>
    %dma_start3A_23 = tpu.memref_squeeze %dma_start3A_22 : memref<1x125x16xf32, #tpu.memory_space<hbm>> -> memref<125x16xf32, #tpu.memory_space<hbm>>
    tpu.enqueue_dma source(%dma_start3A_23 : memref<125x16xf32, #tpu.memory_space<hbm>>) target(%arg7 : memref<125x16xf32, #tpu.memory_space<vmem>>) target_semaphore(%arg10 : memref<!tpu.dma_semaphore, #tpu.memory_space<semaphore_mem>>)
    %broadcast_in_dim3A = arith.constant 0.000000e+00 : f32
    %broadcast_in_dim3A_24 = vector.broadcast %broadcast_in_dim3A : f32 to vector<16xf32>
    %scan3A = arith.constant 0 : i32
    %scan3A_25 = arith.constant 0 : i32
    %scan3A_26 = arith.constant 40 : i32
    %scan3A_27 = arith.addi %scan3A_25, %scan3A_26 : i32
    %scan3A_28 = arith.constant 1 : i32
    %scan3A_29 = scf.for %scan3A_43 = %scan3A_25 to %scan3A_27 step %scan3A_28 iter_args(%scan3A_44 = %scan3A) -> (i32)  : i32 {
      %swap3A = arith.index_cast %scan3A_43 : i32 to index
      %swap3A_45 = arith.constant 0 : index
      %swap3A_46 = tpu.vector_load %arg8[%swap3A, %swap3A_45] {strides = array<i32>} : memref<40x16xf32, #tpu.memory_space<vmem>>, vector<1x16xf32>,
      %swap3A_47 = vector.shape_cast %swap3A_46 : vector<1x16xf32> to vector<16xf32>
      %swap3A_48 = vector.shape_cast %broadcast_in_dim3A_24 : vector<16xf32> to vector<1x16xf32>
      tpu.vector_store %arg8[%swap3A, %swap3A_45], %swap3A_48 {strides = array<i32>} : memref<40x16xf32, #tpu.memory_space<vmem>>, vector<1x16xf32>,
      %scan3A_49 = arith.constant 0 : i32
      scf.yield %scan3A_49 : i32
    }
    %scan3A_30 = arith.constant 40 : i32
    %mul3A_31 = arith.constant 40 : i32
    %mul3A_32 = arith.muli %arg1, %mul3A_31 : i32
    "tpu.region"() ({
      %run_scoped3A = tpu.sem_alloc : memref<!tpu.dma_semaphore, #tpu.memory_space<semaphore_mem>>
      %dma_start3A_43 = arith.constant 0 : i32
      %dma_start3A_44 = tpu.memref_slice %arg13[%mul3A_32, %dma_start3A_43] : memref<640x16xf32, #tpu.memory_space<vmem_shared>> -> memref<40x16xf32, #tpu.memory_space<vmem_shared>>
      %dma_start3A_45 = arith.constant 0 : i32
      %dma_start3A_46 = tpu.memref_slice %arg13[%mul3A_32, %dma_start3A_45] : memref<640x16xf32, #tpu.memory_space<vmem_shared>> -> memref<40x16xf32, #tpu.memory_space<vmem_shared>>
      tpu.enqueue_dma source(%arg8 : memref<40x16xf32, #tpu.memory_space<vmem>>) target(%dma_start3A_46 : memref<40x16xf32, #tpu.memory_space<vmem_shared>>) target_semaphore(%run_scoped3A : memref<!tpu.dma_semaphore, #tpu.memory_space<semaphore_mem>>)
      %dma_wait3A = arith.constant 0 : i32
      %dma_wait3A_47 = tpu.memref_slice %arg13[%mul3A_32, %dma_wait3A] : memref<640x16xf32, #tpu.memory_space<vmem_shared>> -> memref<40x16xf32, #tpu.memory_space<vmem_shared>>
      %dma_wait3A_48 = arith.constant 0 : i32
      %dma_wait3A_49 = tpu.memref_slice %arg13[%mul3A_32, %dma_wait3A_48] : memref<640x16xf32, #tpu.memory_space<vmem_shared>> -> memref<40x16xf32, #tpu.memory_space<vmem_shared>>
      tpu.wait_dma2 semaphore(%run_scoped3A : memref<!tpu.dma_semaphore, #tpu.memory_space<semaphore_mem>>) src(%arg8 : memref<40x16xf32, #tpu.memory_space<vmem>>) dst(%dma_wait3A_49 : memref<40x16xf32, #tpu.memory_space<vmem_shared>>)
      tpu.yield
    }) : () -> ()
    %barrier3A = arith.constant 0 : index
    tpu.barrier barrier_id(%barrier3A)
    %scan3A_33 = arith.constant 0 : i32
    %scan3A_34 = arith.constant 0 : i32
    %scan3A_35 = arith.constant 40 : i32
    %scan3A_36 = arith.addi %scan3A_34, %scan3A_35 : i32
    %scan3A_37 = arith.constant 1 : i32
    %scan3A_38 = scf.for %scan3A_43 = %scan3A_34 to %scan3A_36 step %scan3A_37 iter_args(%scan3A_44 = %scan3A_33) -> (i32)  : i32 {
      %mul3A_45 = arith.constant 2 : i32
      %mul3A_46 = arith.muli %mul3A_45, %scan3A_43 : i32
      %add3A_47 = arith.constant 0 : i32
      %add3A_48 = arith.addi %mul3A_46, %add3A_47 : i32
      %dma_wait3A = arith.constant 0 : i32
      %dma_wait3A_49 = arith.constant 0 : i32
      %dma_wait3A_50 = arith.constant 0 : i32
      %dma_wait3A_51 = tpu.memref_slice %arg3[%dma_wait3A, %dma_wait3A_49, %dma_wait3A_50] : memref<2560x125x16xf32, #tpu.memory_space<hbm>> -> memref<1x125x16xf32, #tpu.memory_space<hbm>>
      %dma_wait3A_52 = tpu.memref_squeeze %dma_wait3A_51 : memref<1x125x16xf32, #tpu.memory_space<hbm>> -> memref<125x16xf32, #tpu.memory_space<hbm>>
      %dma_wait3A_53 = arith.constant 0 : i32
      %dma_wait3A_54 = arith.constant 0 : i32
      %dma_wait3A_55 = tpu.memref_slice %arg3[%dma_wait3A, %dma_wait3A_53, %dma_wait3A_54] : memref<2560x125x16xf32, #tpu.memory_space<hbm>> -> memref<1x125x16xf32, #tpu.memory_space<hbm>>
      %dma_wait3A_56 = tpu.memref_squeeze %dma_wait3A_55 : memref<1x125x16xf32, #tpu.memory_space<hbm>> -> memref<125x16xf32, #tpu.memory_space<hbm>>
      tpu.wait_dma2 semaphore(%arg9 : memref<!tpu.dma_semaphore, #tpu.memory_space<semaphore_mem>>) src(%dma_wait3A_56 : memref<125x16xf32, #tpu.memory_space<hbm>>) dst(%arg6 : memref<125x16xf32, #tpu.memory_space<vmem>>)
      %dma_start3A_57 = arith.constant 0 : i32
      %dma_start3A_58 = tpu.memref_slice %arg5[%add3A_48, %dma_start3A_57] : memref<80x125xi32, #tpu.memory_space<vmem>> -> memref<1x125xi32, #tpu.memory_space<vmem>>
      %dma_start3A_59 = tpu.memref_squeeze %dma_start3A_58 : memref<1x125xi32, #tpu.memory_space<vmem>> -> memref<125xi32, #tpu.memory_space<vmem>>
      %dma_start3A_60 = arith.constant 0 : i32
      %dma_start3A_61 = arith.constant 0 : i32
      %dma_start3A_62 = tpu.memref_slice %arg13[%dma_start3A_60, %dma_start3A_61] : memref<640x16xf32, #tpu.memory_space<vmem_shared>> -> memref<640x16xf32, #tpu.memory_space<vmem_shared>>
      tpu.enqueue_indirect_dma source(%arg6 : memref<125x16xf32, #tpu.memory_space<vmem>>) target(%dma_start3A_62 : memref<640x16xf32, #tpu.memory_space<vmem_shared>>) offsets(%dma_start3A_59 : memref<125xi32, #tpu.memory_space<vmem>>) semaphore(%arg11 : memref<!tpu.dma_semaphore, #tpu.memory_space<semaphore_mem>>) {add = true}
      %mul3A_63 = arith.constant 2 : i32
      %mul3A_64 = arith.muli %mul3A_63, %scan3A_43 : i32
      %add3A_65 = arith.constant 1 : i32
      %add3A_66 = arith.addi %mul3A_64, %add3A_65 : i32
      %dma_wait3A_67 = arith.constant 0 : i32
      %dma_wait3A_68 = arith.constant 0 : i32
      %dma_wait3A_69 = arith.constant 0 : i32
      %dma_wait3A_70 = tpu.memref_slice %arg3[%dma_wait3A_67, %dma_wait3A_68, %dma_wait3A_69] : memref<2560x125x16xf32, #tpu.memory_space<hbm>> -> memref<1x125x16xf32, #tpu.memory_space<hbm>>
      %dma_wait3A_71 = tpu.memref_squeeze %dma_wait3A_70 : memref<1x125x16xf32, #tpu.memory_space<hbm>> -> memref<125x16xf32, #tpu.memory_space<hbm>>
      %dma_wait3A_72 = arith.constant 0 : i32
      %dma_wait3A_73 = arith.constant 0 : i32
      %dma_wait3A_74 = tpu.memref_slice %arg3[%dma_wait3A_67, %dma_wait3A_72, %dma_wait3A_73] : memref<2560x125x16xf32, #tpu.memory_space<hbm>> -> memref<1x125x16xf32, #tpu.memory_space<hbm>>
      %dma_wait3A_75 = tpu.memref_squeeze %dma_wait3A_74 : memref<1x125x16xf32, #tpu.memory_space<hbm>> -> memref<125x16xf32, #tpu.memory_space<hbm>>
      tpu.wait_dma2 semaphore(%arg10 : memref<!tpu.dma_semaphore, #tpu.memory_space<semaphore_mem>>) src(%dma_wait3A_75 : memref<125x16xf32, #tpu.memory_space<hbm>>) dst(%arg7 : memref<125x16xf32, #tpu.memory_space<vmem>>)
      %dma_start3A_76 = arith.constant 0 : i32
      %dma_start3A_77 = tpu.memref_slice %arg5[%add3A_66, %dma_start3A_76] : memref<80x125xi32, #tpu.memory_space<vmem>> -> memref<1x125xi32, #tpu.memory_space<vmem>>
      %dma_start3A_78 = tpu.memref_squeeze %dma_start3A_77 : memref<1x125xi32, #tpu.memory_space<vmem>> -> memref<125xi32, #tpu.memory_space<vmem>>
      %dma_start3A_79 = arith.constant 0 : i32
      %dma_start3A_80 = arith.constant 0 : i32
      %dma_start3A_81 = tpu.memref_slice %arg13[%dma_start3A_79, %dma_start3A_80] : memref<640x16xf32, #tpu.memory_space<vmem_shared>> -> memref<640x16xf32, #tpu.memory_space<vmem_shared>>
      tpu.enqueue_indirect_dma source(%arg7 : memref<125x16xf32, #tpu.memory_space<vmem>>) target(%dma_start3A_81 : memref<640x16xf32, #tpu.memory_space<vmem_shared>>) offsets(%dma_start3A_78 : memref<125xi32, #tpu.memory_space<vmem>>) semaphore(%arg12 : memref<!tpu.dma_semaphore, #tpu.memory_space<semaphore_mem>>) {add = true}
      %add3A_82 = arith.constant 1 : i32
      %add3A_83 = arith.addi %scan3A_43, %add3A_82 : i32
      %mul3A_84 = arith.constant 2 : i32
      %mul3A_85 = arith.muli %mul3A_84, %add3A_83 : i32
      %add3A_86 = arith.constant 0 : i32
      %add3A_87 = arith.addi %mul3A_85, %add3A_86 : i32
      %dma_wait3A_88 = arith.constant 0 : i32
      %dma_wait3A_89 = arith.constant 0 : i32
      %dma_wait3A_90 = tpu.memref_slice %arg5[%dma_wait3A_88, %dma_wait3A_89] : memref<80x125xi32, #tpu.memory_space<vmem>> -> memref<1x125xi32, #tpu.memory_space<vmem>>
      %dma_wait3A_91 = tpu.memref_squeeze %dma_wait3A_90 : memref<1x125xi32, #tpu.memory_space<vmem>> -> memref<125xi32, #tpu.memory_space<vmem>>
      %dma_wait3A_92 = arith.constant 0 : i32
      %dma_wait3A_93 = arith.constant 0 : i32
      %dma_wait3A_94 = tpu.memref_slice %arg13[%dma_wait3A_92, %dma_wait3A_93] : memref<640x16xf32, #tpu.memory_space<vmem_shared>> -> memref<640x16xf32, #tpu.memory_space<vmem_shared>>
      tpu.wait_indirect_dma semaphore(%arg11 : memref<!tpu.dma_semaphore, #tpu.memory_space<semaphore_mem>>) src(%arg6 : memref<125x16xf32, #tpu.memory_space<vmem>>) dst(%dma_wait3A_94 : memref<640x16xf32, #tpu.memory_space<vmem_shared>>)
      %lt3A = arith.constant 80 : i32
      %lt3A_95 = arith.cmpi slt, %add3A_87, %lt3A : i32
      %convert_element_type3A_96 = arith.extui %lt3A_95 : i1 to i32
      %cond3A_97 = arith.constant 0 : i32
      %cond3A_98 = arith.cmpi ne, %convert_element_type3A_96, %cond3A_97 : i32
      scf.if %cond3A_98 {
        %mul3A_118 = arith.constant 80 : i32
        %mul3A_119 = arith.muli %add3A, %mul3A_118 : i32
        %add3A_120 = arith.addi %mul3A_119, %add3A_87 : i32
        %dma_start3A_121 = arith.constant 0 : i32
        %dma_start3A_122 = arith.constant 0 : i32
        %dma_start3A_123 = tpu.memref_slice %arg3[%add3A_120, %dma_start3A_121, %dma_start3A_122] : memref<2560x125x16xf32, #tpu.memory_space<hbm>> -> memref<1x125x16xf32, #tpu.memory_space<hbm>>
        %dma_start3A_124 = tpu.memref_squeeze %dma_start3A_123 : memref<1x125x16xf32, #tpu.memory_space<hbm>> -> memref<125x16xf32, #tpu.memory_space<hbm>>
        %dma_start3A_125 = arith.constant 0 : i32
        %dma_start3A_126 = arith.constant 0 : i32
        %dma_start3A_127 = tpu.memref_slice %arg3[%add3A_120, %dma_start3A_125, %dma_start3A_126] : memref<2560x125x16xf32, #tpu.memory_space<hbm>> -> memref<1x125x16xf32, #tpu.memory_space<hbm>>
        %dma_start3A_128 = tpu.memref_squeeze %dma_start3A_127 : memref<1x125x16xf32, #tpu.memory_space<hbm>> -> memref<125x16xf32, #tpu.memory_space<hbm>>
        tpu.enqueue_dma source(%dma_start3A_128 : memref<125x16xf32, #tpu.memory_space<hbm>>) target(%arg6 : memref<125x16xf32, #tpu.memory_space<vmem>>) target_semaphore(%arg9 : memref<!tpu.dma_semaphore, #tpu.memory_space<semaphore_mem>>)
      } else {
      }
      %add3A_99 = arith.constant 1 : i32
      %add3A_100 = arith.addi %scan3A_43, %add3A_99 : i32
      %mul3A_101 = arith.constant 2 : i32
      %mul3A_102 = arith.muli %mul3A_101, %add3A_100 : i32
      %add3A_103 = arith.constant 1 : i32
      %add3A_104 = arith.addi %mul3A_102, %add3A_103 : i32
      %dma_wait3A_105 = arith.constant 0 : i32
      %dma_wait3A_106 = arith.constant 0 : i32
      %dma_wait3A_107 = tpu.memref_slice %arg5[%dma_wait3A_105, %dma_wait3A_106] : memref<80x125xi32, #tpu.memory_space<vmem>> -> memref<1x125xi32, #tpu.memory_space<vmem>>
      %dma_wait3A_108 = tpu.memref_squeeze %dma_wait3A_107 : memref<1x125xi32, #tpu.memory_space<vmem>> -> memref<125xi32, #tpu.memory_space<vmem>>
      %dma_wait3A_109 = arith.constant 0 : i32
      %dma_wait3A_110 = arith.constant 0 : i32
      %dma_wait3A_111 = tpu.memref_slice %arg13[%dma_wait3A_109, %dma_wait3A_110] : memref<640x16xf32, #tpu.memory_space<vmem_shared>> -> memref<640x16xf32, #tpu.memory_space<vmem_shared>>
      tpu.wait_indirect_dma semaphore(%arg12 : memref<!tpu.dma_semaphore, #tpu.memory_space<semaphore_mem>>) src(%arg7 : memref<125x16xf32, #tpu.memory_space<vmem>>) dst(%dma_wait3A_111 : memref<640x16xf32, #tpu.memory_space<vmem_shared>>)
      %lt3A_112 = arith.constant 80 : i32
      %lt3A_113 = arith.cmpi slt, %add3A_104, %lt3A_112 : i32
      %convert_element_type3A_114 = arith.extui %lt3A_113 : i1 to i32
      %cond3A_115 = arith.constant 0 : i32
      %cond3A_116 = arith.cmpi ne, %convert_element_type3A_114, %cond3A_115 : i32
      scf.if %cond3A_116 {
        %mul3A_118 = arith.constant 80 : i32
        %mul3A_119 = arith.muli %add3A, %mul3A_118 : i32
        %add3A_120 = arith.addi %mul3A_119, %add3A_104 : i32
        %dma_start3A_121 = arith.constant 0 : i32
        %dma_start3A_122 = arith.constant 0 : i32
        %dma_start3A_123 = tpu.memref_slice %arg3[%add3A_120, %dma_start3A_121, %dma_start3A_122] : memref<2560x125x16xf32, #tpu.memory_space<hbm>> -> memref<1x125x16xf32, #tpu.memory_space<hbm>>
        %dma_start3A_124 = tpu.memref_squeeze %dma_start3A_123 : memref<1x125x16xf32, #tpu.memory_space<hbm>> -> memref<125x16xf32, #tpu.memory_space<hbm>>
        %dma_start3A_125 = arith.constant 0 : i32
        %dma_start3A_126 = arith.constant 0 : i32
        %dma_start3A_127 = tpu.memref_slice %arg3[%add3A_120, %dma_start3A_125, %dma_start3A_126] : memref<2560x125x16xf32, #tpu.memory_space<hbm>> -> memref<1x125x16xf32, #tpu.memory_space<hbm>>
        %dma_start3A_128 = tpu.memref_squeeze %dma_start3A_127 : memref<1x125x16xf32, #tpu.memory_space<hbm>> -> memref<125x16xf32, #tpu.memory_space<hbm>>
        tpu.enqueue_dma source(%dma_start3A_128 : memref<125x16xf32, #tpu.memory_space<hbm>>) target(%arg7 : memref<125x16xf32, #tpu.memory_space<vmem>>) target_semaphore(%arg10 : memref<!tpu.dma_semaphore, #tpu.memory_space<semaphore_mem>>)
      } else {
      }
      %scan3A_117 = arith.constant 0 : i32
      scf.yield %scan3A_117 : i32
    }
    %scan3A_39 = arith.constant 40 : i32
    %barrier3A_40 = arith.constant 0 : index
    tpu.barrier barrier_id(%barrier3A_40)
    %eq3A = arith.constant 0 : i32
    %eq3A_41 = arith.cmpi eq, %arg1, %eq3A : i32
    %convert_element_type3A = arith.extui %eq3A_41 : i1 to i32
    %cond3A = arith.constant 0 : i32
    %cond3A_42 = arith.cmpi ne, %convert_element_type3A, %cond3A : i32
    scf.if %cond3A_42 {
      "tpu.region"() ({
        %run_scoped3A = tpu.sem_alloc : memref<!tpu.dma_semaphore, #tpu.memory_space<semaphore_mem>>
        %dma_start3A_43 = arith.constant 0 : i32
        %dma_start3A_44 = arith.constant 0 : i32
        %dma_start3A_45 = tpu.memref_slice %arg4[%arg0, %dma_start3A_43, %dma_start3A_44] : memref<2x640x16xf32, #tpu.memory_space<hbm>> -> memref<1x640x16xf32, #tpu.memory_space<hbm>>
        %dma_start3A_46 = tpu.memref_squeeze %dma_start3A_45 : memref<1x640x16xf32, #tpu.memory_space<hbm>> -> memref<640x16xf32, #tpu.memory_space<hbm>>
        tpu.enqueue_dma source(%arg13 : memref<640x16xf32, #tpu.memory_space<vmem_shared>>) target(%dma_start3A_46 : memref<640x16xf32, #tpu.memory_space<hbm>>) target_semaphore(%run_scoped3A : memref<!tpu.dma_semaphore, #tpu.memory_space<semaphore_mem>>)
        %dma_wait3A = arith.constant 0 : i32
        %dma_wait3A_47 = arith.constant 0 : i32
        %dma_wait3A_48 = tpu.memref_slice %arg4[%arg0, %dma_wait3A, %dma_wait3A_47] : memref<2x640x16xf32, #tpu.memory_space<hbm>> -> memref<1x640x16xf32, #tpu.memory_space<hbm>>
        %dma_wait3A_49 = tpu.memref_squeeze %dma_wait3A_48 : memref<1x640x16xf32, #tpu.memory_space<hbm>> -> memref<640x16xf32, #tpu.memory_space<hbm>>
        tpu.wait_dma2 semaphore(%run_scoped3A : memref<!tpu.dma_semaphore, #tpu.memory_space<semaphore_mem>>) src(%arg13 : memref<640x16xf32, #tpu.memory_space<vmem_shared>>) dst(%dma_wait3A_49 : memref<640x16xf32, #tpu.memory_space<hbm>>)
        tpu.yield
      }) : () -> ()
    } else {
    }
    return
  }
}

module attributes {stable_mosaic.version = 14 : i64} {
  func.func @body(%arg0: i32, %arg1: memref<2x512x64xf32, #tpu.memory_space<vmem>>, %arg2: memref<128x128xf32, #tpu.memory_space<vmem>>, %arg3: memref<1x128xf32, #tpu.memory_space<vmem>>, %arg4: memref<512x128xf32, #tpu.memory_space<vmem>>) attributes {dimension_semantics = [#tpu.dimension_semantics<arbitrary>], iteration_bounds = array<i64: 20>, scalar_prefetch = 0 : i64, scratch_operands = 0 : i64, tpu.core_type = #tpu.core_type<tc>, window_params = [{transform_indices = @transform_0, window_bounds = array<i64: 2, 512, 64>}, {pipeline_mode = #tpu.pipeline_mode<synchronous>, transform_indices = @transform_1, window_bounds = array<i64: 128, 128>}, {pipeline_mode = #tpu.pipeline_mode<synchronous>, transform_indices = @transform_2, window_bounds = array<i64: 1, 128>}, {transform_indices = @transform_3, window_bounds = array<i64: 512, 128>}]} {
    %get3A = arith.constant 0 : index
    %get3A_0 = arith.constant 0 : index
    %get3A_1 = arith.constant 0 : index
    %get3A_2 = vector.load %arg1[%get3A, %get3A_0, %get3A_1] : memref<2x512x64xf32, #tpu.memory_space<vmem>>, vector<1x512x64xf32>
    %get3A_3 = vector.shape_cast %get3A_2 : vector<1x512x64xf32> to vector<512x64xf32>
    %get3A_4 = arith.constant 1 : index
    %get3A_5 = arith.constant 0 : index
    %get3A_6 = arith.constant 0 : index
    %get3A_7 = vector.load %arg1[%get3A_4, %get3A_5, %get3A_6] : memref<2x512x64xf32, #tpu.memory_space<vmem>>, vector<1x512x64xf32>
    %get3A_8 = vector.shape_cast %get3A_7 : vector<1x512x64xf32> to vector<512x64xf32>
    %concatenate3A = tpu.concatenate %get3A_3, %get3A_8 in 1 : vector<512x64xf32>, vector<512x64xf32> -> vector<512x128xf32>
    %get3A_9 = arith.constant 0 : index
    %get3A_10 = arith.constant 0 : index
    %get3A_11 = vector.load %arg2[%get3A_9, %get3A_10] : memref<128x128xf32, #tpu.memory_space<vmem>>, vector<128x128xf32>
    %dot_general3A = arith.constant dense<0.000000e+00> : vector<512x128xf32>
    %dot_general3A_12 = tpu.matmul %concatenate3A, %get3A_11, %dot_general3A {dimension_numbers = #tpu.dot_dimension_numbers<[1], [0], [0], [1], [0, 0, 1, 1], [], []>, transpose_lhs_hint = false} : vector<512x128xf32>, vector<128x128xf32>, vector<512x128xf32> -> vector<512x128xf32>
    %get3A_13 = arith.constant 0 : index
    %get3A_14 = arith.constant 0 : index
    %get3A_15 = vector.load %arg3[%get3A_13, %get3A_14] : memref<1x128xf32, #tpu.memory_space<vmem>>, vector<1x128xf32>
    %add3A = vector.broadcast %get3A_15 : vector<1x128xf32> to vector<512x128xf32>
    %add3A_16 = arith.addf %dot_general3A_12, %add3A : vector<512x128xf32>
    %swap3A = arith.constant 0 : index
    %swap3A_17 = arith.constant 0 : index
    %swap3A_18 = vector.load %arg4[%swap3A, %swap3A_17] : memref<512x128xf32, #tpu.memory_space<vmem>>, vector<512x128xf32>
    tpu.vector_store %arg4[%swap3A, %swap3A_17], %add3A_16 {strides = array<i32>} : memref<512x128xf32, #tpu.memory_space<vmem>>, vector<512x128xf32>,
    return
  }
  func.func @transform_0(%arg0: i32) -> (i32, i32, i32) {
    %c0_i32 = arith.constant 0 : i32
    %c0_i32_0 = arith.constant 0 : i32
    %c0_i32_1 = arith.constant 0 : i32
    return %c0_i32, %arg0, %c0_i32_0 : i32, i32, i32
  }
  func.func @transform_1(%arg0: i32) -> (i32, i32) {
    %c0_i32 = arith.constant 0 : i32
    %c0_i32_0 = arith.constant 0 : i32
    %c0_i32_1 = arith.constant 0 : i32
    return %c0_i32, %c0_i32_0 : i32, i32
  }
  func.func @transform_2(%arg0: i32) -> (i32, i32) {
    %c0_i32 = arith.constant 0 : i32
    %c0_i32_0 = arith.constant 0 : i32
    %c0_i32_1 = arith.constant 0 : i32
    return %c0_i32, %c0_i32_0 : i32, i32
  }
  func.func @transform_3(%arg0: i32) -> (i32, i32) {
    %c0_i32 = arith.constant 0 : i32
    %c0_i32_0 = arith.constant 0 : i32
    return %arg0, %c0_i32 : i32, i32
  }
}

module attributes {stable_mosaic.version = 14 : i64} {
  func.func @body(%arg0: i32, %arg1: memref<512x128xf32, #tpu.memory_space<vmem>>, %arg2: memref<2x512x64xf32, #tpu.memory_space<vmem>>, %arg3: memref<2x512x1xf32, #tpu.memory_space<vmem>>, %arg4: memref<128x128xf32, #tpu.memory_space<vmem>>, %arg5: memref<1x1xf32, #tpu.memory_space<vmem>>, %arg6: memref<2x512x64xf32, #tpu.memory_space<vmem>>) attributes {dimension_semantics = [#tpu.dimension_semantics<arbitrary>], iteration_bounds = array<i64: 20>, scalar_prefetch = 0 : i64, scratch_operands = 0 : i64, tpu.core_type = #tpu.core_type<tc>, window_params = [{transform_indices = @transform_0, window_bounds = array<i64: 512, 128>}, {transform_indices = @transform_1, window_bounds = array<i64: 2, 512, 64>}, {transform_indices = @transform_2, window_bounds = array<i64: 2, 512, 1>}, {pipeline_mode = #tpu.pipeline_mode<synchronous>, transform_indices = @transform_3, window_bounds = array<i64: 128, 128>}, {pipeline_mode = #tpu.pipeline_mode<synchronous>, transform_indices = @transform_4, window_bounds = array<i64: 1, 1>}, {transform_indices = @transform_5, window_bounds = array<i64: 2, 512, 64>}]} {
    %get3A = arith.constant 0 : index
    %get3A_0 = arith.constant 0 : index
    %get3A_1 = arith.constant 0 : index
    %get3A_2 = vector.load %arg2[%get3A, %get3A_0, %get3A_1] : memref<2x512x64xf32, #tpu.memory_space<vmem>>, vector<1x512x64xf32>
    %get3A_3 = vector.shape_cast %get3A_2 : vector<1x512x64xf32> to vector<512x64xf32>
    %get3A_4 = arith.constant 1 : index
    %get3A_5 = arith.constant 0 : index
    %get3A_6 = arith.constant 0 : index
    %get3A_7 = vector.load %arg2[%get3A_4, %get3A_5, %get3A_6] : memref<2x512x64xf32, #tpu.memory_space<vmem>>, vector<1x512x64xf32>
    %get3A_8 = vector.shape_cast %get3A_7 : vector<1x512x64xf32> to vector<512x64xf32>
    %concatenate3A = tpu.concatenate %get3A_3, %get3A_8 in 1 : vector<512x64xf32>, vector<512x64xf32> -> vector<512x128xf32>
    %get3A_9 = arith.constant 0 : index
    %get3A_10 = arith.constant 0 : index
    %get3A_11 = arith.constant 0 : index
    %get3A_12 = vector.load %arg3[%get3A_9, %get3A_10, %get3A_11] : memref<2x512x1xf32, #tpu.memory_space<vmem>>, vector<1x512x1xf32>
    %get3A_13 = vector.shape_cast %get3A_12 : vector<1x512x1xf32> to vector<512x1xf32>
    %get3A_14 = arith.constant 1 : index
    %get3A_15 = arith.constant 0 : index
    %get3A_16 = arith.constant 0 : index
    %get3A_17 = vector.load %arg3[%get3A_14, %get3A_15, %get3A_16] : memref<2x512x1xf32, #tpu.memory_space<vmem>>, vector<1x512x1xf32>
    %get3A_18 = vector.shape_cast %get3A_17 : vector<1x512x1xf32> to vector<512x1xf32>
    %add3A = arith.addf %get3A_13, %get3A_18 : vector<512x1xf32>
    %max3A = arith.constant 1.000000e+00 : f32
    %max3A_19 = vector.broadcast %max3A : f32 to vector<512x1xf32>
    %max3A_20 = arith.maximumf %add3A, %max3A_19 : vector<512x1xf32>
    %div3A = arith.constant 1.000000e+00 : f32
    %div3A_21 = vector.broadcast %div3A : f32 to vector<512x1xf32>
    %div3A_22 = arith.divf %div3A_21, %max3A_20 : vector<512x1xf32>
    %get3A_23 = arith.constant 0 : index
    %get3A_24 = arith.constant 0 : index
    %get3A_25 = vector.load %arg1[%get3A_23, %get3A_24] : memref<512x128xf32, #tpu.memory_space<vmem>>, vector<512x128xf32>
    %mul3A = vector.broadcast %div3A_22 : vector<512x1xf32> to vector<512x128xf32>
    %mul3A_26 = arith.mulf %concatenate3A, %mul3A : vector<512x128xf32>
    %get3A_27 = arith.constant 0 : index
    %get3A_28 = arith.constant 0 : index
    %get3A_29 = vector.load %arg4[%get3A_27, %get3A_28] : memref<128x128xf32, #tpu.memory_space<vmem>>, vector<128x128xf32>
    %dot_general3A = arith.constant dense<0.000000e+00> : vector<512x128xf32>
    %dot_general3A_30 = tpu.matmul %mul3A_26, %get3A_29, %dot_general3A {dimension_numbers = #tpu.dot_dimension_numbers<[1], [0], [0], [1], [0, 0, 1, 1], [], []>, transpose_lhs_hint = false} : vector<512x128xf32>, vector<128x128xf32>, vector<512x128xf32> -> vector<512x128xf32>
    %add3A_31 = arith.addf %get3A_25, %dot_general3A_30 : vector<512x128xf32>
    %get3A_32 = arith.constant 0 : index
    %get3A_33 = arith.constant 0 : index
    %get3A_34 = vector.load %arg5[%get3A_32, %get3A_33] : memref<1x1xf32, #tpu.memory_space<vmem>>, vector<1x1xf32>
    %get3A_35 = vector.extract %get3A_34[0, 0] : f32 from vector<1x1xf32>
    %gt3A = arith.constant 0.000000e+00 : f32
    %gt3A_36 = arith.cmpf ogt, %get3A_35, %gt3A : f32
    %max3A_37 = arith.constant 0.000000e+00 : f32
    %max3A_38 = vector.broadcast %max3A_37 : f32 to vector<512x128xf32>
    %max3A_39 = arith.maximumf %add3A_31, %max3A_38 : vector<512x128xf32>
    %select_n3A = arith.select %gt3A_36, %max3A_39, %add3A_31 : vector<512x128xf32>
    %slice3A = vector.extract_strided_slice %select_n3A {offsets = [0, 0], sizes = [512, 64], strides = [1, 1]} : vector<512x128xf32> to vector<512x64xf32>
    %swap3A = arith.constant 0 : index
    %swap3A_40 = arith.constant 0 : index
    %swap3A_41 = arith.constant 0 : index
    %swap3A_42 = vector.load %arg6[%swap3A, %swap3A_40, %swap3A_41] : memref<2x512x64xf32, #tpu.memory_space<vmem>>, vector<1x512x64xf32>
    %swap3A_43 = vector.shape_cast %swap3A_42 : vector<1x512x64xf32> to vector<512x64xf32>
    %swap3A_44 = vector.shape_cast %slice3A : vector<512x64xf32> to vector<1x512x64xf32>
    tpu.vector_store %arg6[%swap3A, %swap3A_40, %swap3A_41], %swap3A_44 {strides = array<i32>} : memref<2x512x64xf32, #tpu.memory_space<vmem>>, vector<1x512x64xf32>,
    %slice3A_45 = vector.extract_strided_slice %select_n3A {offsets = [0, 64], sizes = [512, 64], strides = [1, 1]} : vector<512x128xf32> to vector<512x64xf32>
    %swap3A_46 = arith.constant 1 : index
    %swap3A_47 = arith.constant 0 : index
    %swap3A_48 = arith.constant 0 : index
    %swap3A_49 = vector.load %arg6[%swap3A_46, %swap3A_47, %swap3A_48] : memref<2x512x64xf32, #tpu.memory_space<vmem>>, vector<1x512x64xf32>
    %swap3A_50 = vector.shape_cast %swap3A_49 : vector<1x512x64xf32> to vector<512x64xf32>
    %swap3A_51 = vector.shape_cast %slice3A_45 : vector<512x64xf32> to vector<1x512x64xf32>
    tpu.vector_store %arg6[%swap3A_46, %swap3A_47, %swap3A_48], %swap3A_51 {strides = array<i32>} : memref<2x512x64xf32, #tpu.memory_space<vmem>>, vector<1x512x64xf32>,
    return
  }
  func.func @transform_0(%arg0: i32) -> (i32, i32) {
    %c0_i32 = arith.constant 0 : i32
    %c0_i32_0 = arith.constant 0 : i32
    return %arg0, %c0_i32 : i32, i32
  }
  func.func @transform_1(%arg0: i32) -> (i32, i32, i32) {
    %c0_i32 = arith.constant 0 : i32
    %c0_i32_0 = arith.constant 0 : i32
    %c0_i32_1 = arith.constant 0 : i32
    return %c0_i32, %arg0, %c0_i32_0 : i32, i32, i32
  }
  func.func @transform_2(%arg0: i32) -> (i32, i32, i32) {
    %c0_i32 = arith.constant 0 : i32
    %c0_i32_0 = arith.constant 0 : i32
    %c0_i32_1 = arith.constant 0 : i32
    return %c0_i32, %arg0, %c0_i32_0 : i32, i32, i32
  }
  func.func @transform_3(%arg0: i32) -> (i32, i32) {
    %c0_i32 = arith.constant 0 : i32
    %c0_i32_0 = arith.constant 0 : i32
    %c0_i32_1 = arith.constant 0 : i32
    return %c0_i32, %c0_i32_0 : i32, i32
  }
  func.func @transform_4(%arg0: i32) -> (i32, i32) {
    %c0_i32 = arith.constant 0 : i32
    %c0_i32_0 = arith.constant 0 : i32
    %c0_i32_1 = arith.constant 0 : i32
    return %c0_i32, %c0_i32_0 : i32, i32
  }
  func.func @transform_5(%arg0: i32) -> (i32, i32, i32) {
    %c0_i32 = arith.constant 0 : i32
    %c0_i32_0 = arith.constant 0 : i32
    %c0_i32_1 = arith.constant 0 : i32
    return %c0_i32, %arg0, %c0_i32_0 : i32, i32, i32
  }
}

</mosaic_0001>

<sc_bundles>
// kernel: body.11.cloned.1.call-start
scs
__scs_entry_jumppad:
0x0: {  	(pc) =	sbr.rel $0x88, $3  }
0x1: {  	(tag) =	ssettag $0x0;
	lr =	simm.s32 $0x1  }
0x2: {  	[smem:$0x3F96] =	sst lr;
	_ =	strace $0xD0000000  }
0x3: {  	_ = 	snop  }
0x4: {  	_ = 	snop  }
0x5: {  	_ = 	snop  }
0x6: {  	_ = 	snop  }
0x7: {  	_ = 	snop  }
__scs_overlays_trampoline_lowered:
0x8: {  	[smem:$0x3FA5] =	sst s0  }
0x9: {  	[smem:$0x3FA6] =	sst s1  }
0xa: {  	[smem:$0x3FA7] =	sst s2  }
0xb: {  	[smem:$0x3FA8] =	sst s3  }
0xc: {  	[smem:$0x3FA9] =	sst s4  }
0xd: {  	[smem:$0x3FAA] =	sst s5  }
0xe: {  	[smem:$0x3FAB] =	sst s6  }
0xf: {  	[smem:$0x3FAC] =	sst s7  }
0x10: {  	[smem:$0x3FAD] =	sst s8  }
0x11: {  	[smem:$0x3FAE] =	sst s9;
	s0 =	simm.s32 @!p0 $0x0  }
0x12: {  	s1 =	sld [smem:$0x3F94];
	s0 =	simm.s32 @p0 $0x1  }
0x13: {  	[smem:$0x3FAF] =	sst s0;
	s0 =	simm.s32 @!p1 $0x0  }
0x14: {  	s2 =	sld [smem:$0x3F93];
	s0 =	simm.s32 @p1 $0x1  }
0x15: {  	[smem:$0x3FB0] =	sst s0;
	s0 =	simm.s32 @!p2 $0x0  }
0x16: {  	s3 =	sld [smem:$0x3FDB];
	s0 =	simm.s32 @p2 $0x1  }
0x17: {  	s4 =	simm.s32 $0x1BF5;
	[smem:$0x3FB2] =	sst s0  }
0x18: {  	s0 =	sld [smem:$0x3F95];
	_ =	swait.ge [sflag:s4], $0x0  }
0x19: {  	s7 =	sld [smem:$0x3F96]  }
0x1a: {  	s8 =	sadd.s32 $0xFFFFE003, lr  }
0x1b: {  	s9 =	sadd.s32 $0xFFFFFEF7, lr;
	s5 =	simm.s32 $0xFFFFFFFF;
	p2 =	slt.u32 s8, $0xFFFFF086  }
0x1c: {  	p1 =	slt.u32 s9, $0xF7A;
	s5 =	simm.s32 @!p2 $0x0  }
0x1d: {  	s5 =	simm.s32 @p1 $0x1;
	p0 =	seq.s32 s7, s2  }
0x1e: {  	s7 =	smul.u32 @!p0 $0xF7A, s2;
	p2 =	seq.s32 @!p0 s5, $0x0  }
0x1f: {  	s9 =	smul.u32 $0xF7A, s1;
	s8 =	simm.s32 @!p0 $0x1BF5;
	p2 =	por !p2, p0  }
0x20: {  	[sflag:s8] =	ssyncset.s32 @!p0 $0xFFFFF086;
	s6 =	sadd.s32 @!p0 s3, s7;
	s7 =	simm.s32 @!p0 $0x108  }
0x21: {  	s3 =	sadd.s32 s3, s9;
	s6 =	sadd.s32 @!p0 $0x88, s6;
	s7 =	simm.s32 @p2 $0x1082  }
0x22: {  	[simem:s7], [sflag:s8] =	dma.local @!p0 [hbm:s6], $0xF7A  }
0x23: {  	s9 =	sor.u32 $0xD0000000, s2;
	s6 =	simm.s32 $0x108;
	_ =	swait.ge @!p0 [sflag:s8], $0x0  }
0x24: {  	s3 =	sadd.s32 $0x88, s3;
	s6 =	simm.s32 @!p1 $0x1082;
	[sflag:s4] =	ssyncset.s32 $0xFFFFF086  }
0x25: {  	[simem:s6], [sflag:s4] =	dma.local [hbm:s3], $0xF7A  }
0x26: {  	[smem:$0x3F96] =	sst s1;
	(tag) =	ssettag s2;
	_ =	strace s9  }
0x27: {  	s1 =	sld [smem:$0x3FA6]  }
0x28: {  	s2 =	sld [smem:$0x3FA7]  }
0x29: {  	s4 =	sld [smem:$0x3FA9]  }
0x2a: {  	p0 =	seq.s32 s5, $0x0;
	s5 =	sld [smem:$0x3FAA]  }
0x2b: {  	s6 =	sld [smem:$0x3FAB]  }
0x2c: {  	s7 =	sld [smem:$0x3FAC]  }
0x2d: {  	s3 =	simm.s32 $0x108;
	s8 =	sld [smem:$0x3FAD]  }
0x2e: {  	s3 =	simm.s32 @!p0 $0x1082;
	s9 =	sld [smem:$0x3FAE]  }
0x2f: {  	lr =	sadd.s32 s0, s3;
	s0 =	sld [smem:$0x3FA5]  }
0x30: {  	s3 =	sld [smem:$0x3FA8]  }
0x31: {  	[smem:$0x3FB1] =	sst s10  }
0x32: {  	s10 =	sld [smem:$0x3FAF];
	_ =	sdelay $0x3  }
0x33: {  	p0 =	seq.s32 s10, $0x1;
	s10 =	sld [smem:$0x3FB1];
	_ =	sdelay $0x3  }
0x34: {  	[smem:$0x3FB1] =	sst s10  }
0x35: {  	s10 =	sld [smem:$0x3FB0];
	_ =	sdelay $0x3  }
0x36: {  	p1 =	seq.s32 s10, $0x1;
	s10 =	sld [smem:$0x3FB1];
	_ =	sdelay $0x3  }
0x37: {  	[smem:$0x3FB1] =	sst s10  }
0x38: {  	s10 =	sld [smem:$0x3FB2]  }
0x39: {  	_ = 	snop;
	(pc) =	sbr.ind lr, $3  }
0x3a: {  	_ = 	snop  }
0x3b: {  	_ = 	snop  }
0x3c: {  	p2 =	seq.s32 s10, $0x1;
	s10 =	sld [smem:$0x3FB1]  }
0x3d: {  	_ =	shalt  }
0x3e: {  	_ =	shalt  }
0x3f: {  	_ =	shalt  }
0x40: {  	_ =	shalt  }
0x41: {  	_ =	shalt  }
0x42: {  	_ =	shalt  }
0x43: {  	_ =	shalt  }
0x44: {  	_ =	shalt  }
0x45: {  	_ =	shalt  }
0x46: {  	_ =	shalt  }
0x47: {  	_ =	shalt  }
0x48: {  	_ =	shalt  }
0x49: {  	_ =	shalt  }
0x4a: {  	_ =	shalt  }
0x4b: {  	_ =	shalt  }
0x4c: {  	_ =	shalt  }
0x4d: {  	_ =	shalt  }
0x4e: {  	_ =	shalt  }
0x4f: {  	_ =	shalt  }
0x50: {  	_ =	shalt  }
0x51: {  	_ =	shalt  }
0x52: {  	_ =	shalt  }
0x53: {  	_ =	shalt  }
0x54: {  	_ =	shalt  }
0x55: {  	_ =	shalt  }
0x56: {  	_ =	shalt  }
0x57: {  	_ =	shalt  }
0x58: {  	_ =	shalt  }
0x59: {  	_ =	shalt  }
0x5a: {  	_ =	shalt  }
0x5b: {  	_ =	shalt  }
0x5c: {  	_ =	shalt  }
0x5d: {  	_ =	shalt  }
0x5e: {  	_ =	shalt  }
0x5f: {  	_ =	shalt  }
0x60: {  	_ =	shalt  }
0x61: {  	_ =	shalt  }
0x62: {  	_ =	shalt  }
0x63: {  	_ =	shalt  }
0x64: {  	_ =	shalt  }
0x65: {  	_ =	shalt  }
0x66: {  	_ =	shalt  }
0x67: {  	_ =	shalt  }
0x68: {  	_ =	shalt  }
0x69: {  	_ =	shalt  }
0x6a: {  	_ =	shalt  }
0x6b: {  	_ =	shalt  }
0x6c: {  	_ =	shalt  }
0x6d: {  	_ =	shalt  }
0x6e: {  	_ =	shalt  }
0x6f: {  	_ =	shalt  }
0x70: {  	_ =	shalt  }
0x71: {  	_ =	shalt  }
0x72: {  	_ =	shalt  }
0x73: {  	_ =	shalt  }
0x74: {  	_ =	shalt  }
0x75: {  	_ =	shalt  }
0x76: {  	_ =	shalt  }
0x77: {  	_ =	shalt  }
0x78: {  	_ =	shalt  }
0x79: {  	_ =	shalt  }
0x7a: {  	_ =	shalt  }
0x7b: {  	_ =	shalt  }
0x7c: {  	_ =	shalt  }
0x7d: {  	_ =	shalt  }
0x7e: {  	_ =	shalt  }
0x7f: {  	_ =	shalt  }
0x80: {  	_ =	shalt  }
0x81: {  	_ =	shalt  }
0x82: {  	_ =	shalt  }
0x83: {  	_ =	shalt  }
0x84: {  	_ =	shalt  }
0x85: {  	_ =	shalt  }
0x86: {  	_ =	shalt  }
0x87: {  	_ =	shalt  }
.Lfunc_end0:
.L_simem_size_0:
called_computation_lowered:
.L_overlay_start_0:
0x88: {  	s2 =	sld [smem:$0x3FD9]  }
0x89: {  	s3 =	sld [smem:$0x3FFE];
	_ =	sdelay $0x1  }
0x8a: {  	s1 =	srdreg.scid  }
0x8b: {  	s0 =	sand.u32 $0x1, s1  }
0x8c: {  	s17 =	sshll.u32 s0, $0xA;
	s2 =	sadd.s32 s3, s2  }
0x8d: {  	s2 =	sadd.s32 s2, s17  }
0x8e: {  	[smem:$0x3FBD] =	sst s2  }
0x8f: {  	_ = 	snop  }
0x90: {  	s2 =	sld [smem:$0x3FD0];
	(tm) =	ssettm $0x1  }
0x91: {  	s18 =	sld [smem:$0x3FFB];
	_ =	sdelay $0x3  }
0x92: {  	_ =	strace s18  }
0x93: {  	s3 =	sld [smem:$0x3FFC];
	_ =	sdelay $0x3  }
0x94: {  	_ =	strace s3  }
0x95: {  	s3 =	sld [smem:$0x3FFD];
	_ =	sdelay $0x3  }
0x96: {  	_ =	strace s3  }
0x97: {  	_ =	strace $0x8FFFFFFF  }
0x98: {  	s19 =	sld [smem:$0x3FDB];
	_ =	sdelay $0x1  }
0x99: {  	s4 =	simm.s32 $_scs_section_size  }
0x9a: {  	s5 =	simm.s32 $_size__tile_overlayer_lowered;
	s6 =	simm.s32 $_tile_overlayer_lowered  }
0x9b: {  	s22 =	simm.s32 $0x1BFF;
	s21 =	sshll.u32 s6, $0x1;
	s3 =	sadd.s32 s4, s19  }
0x9c: {  	s7 =	simm.s32 $0x0;
	s20 =	sshll.u32 s5, $0x1;
	s5 =	sadd.s32 s21, s3  }
0x9d: {  	[timem:s7], [sflag:s22] =	dma.local [hbm:s5], s20  }
0x9e: {  	_ =	swait.ge [sflag:s22], s20  }
0x9f: {  	s4 =	ssub.s32 $0x0, s20;
	[sflag:s22] =	ssyncset.done $0x0  }
0xa0: {  	[sflag:s22] =	ssyncadd.s32 s4;
	_ =	sdelay $0x1  }
0xa1: {  	s23 =	simm.s32 $0x1B8B  }
0xa2: {  	_ =	swait.ge [sflag:s23], $0x1  }
0xa3: {  	[sflag:s23] =	ssyncset.done $0x0  }
0xa4: {  	s25 =	simm.s32 $0x1B8E;
	s24 =	sld [smem:$0x3FFE];
	[sflag:s23] =	ssyncadd.s32 $0xFFFFFFFF  }
0xa5: {  	s26 =	simm.s32 $execute0_lowered;
	[smem:$0x3FD2] =	sst s25  }
0xa6: {  	s5 =	sshll.u32 s26, $0x1;
	_ =	strace $0x80000049;
	[dreg:$0x1] =	wrdreg $0xFFFFFFFF  }
0xa7: {  	s28 =	simm.s32 $_size_execute0_lowered;
	s3 =	sadd.s32 s3, s5;
	[dreg:$0x0] =	wrdreg $0x0  }
0xa8: {  	s5 =	sshll.u32 s28, $0x1;
	[dreg:$0x2] =	wrdreg s3  }
0xa9: {  	[dreg:$0x3] =	wrdreg s5  }
0xaa: {  	[dreg:$0x4] =	wrdreg $0xC0  }
0xab: {  	_ =	task [dreg:s7], $0x5FFFF  }
0xac: {  	[dreg:$0x1] =	wrdreg $0xFFFFFFFF  }
0xad: {  	[dreg:$0x0] =	wrdreg $0x60  }
0xae: {  	[dreg:$0x2] =	wrdreg s24  }
0xaf: {  	[dreg:$0x3] =	wrdreg s2  }
0xb0: {  	[dreg:$0x4] =	wrdreg $0x15C400  }
0xb1: {  	[dreg:$0x5] =	wrdreg $0x9  }
0xb2: {  	_ =	task.clear_ibuf [dreg:s7], $0x6FFFF;
	_ =	strace $0x90000049  }
0xb3: {  	s29 =	simm.s32 $0x9;
	_ =	strace $0x8000004B  }
0xb4: {  	_ =	swait.ge [sflag:s29], $0x1  }
0xb5: {  	[sflag:s29] =	ssyncadd.s32 $0xFFFFFFFF  }
0xb6: {  	_ =	strace $0x9000004B  }
0xb7: {  	_ =	sfence  }
0xb8: {  	s30 =	sld [smem:$0x0];
	_ =	sdelay $0x2  }
0xb9: {  	s31 =	sshll.u32 s1, $0xD;
	s1 =	sshrl.u32 s1, $0x2  }
0xba: {  	s3 =	sand.u32 $0x4000, s31;
	s1 =	sadd.s32 s1, s30  }
0xbb: {  	s0 =	sor.u32 s3, s0;
	s1 =	sshll.u32 s1, $0x11  }
0xbc: {  	s0 =	sor.u32 s1, s0  }
0xbd: {  	s0 =	sadd.s32 $0x8F2B, s0  }
0xbe: {  	[sflag:s0] =	ssyncadd.remote.s32 $0x1  }
0xbf: {  	_ =	sfence.sel $0xFFFF  }
0xc0: {  	[dreg:$0x0] =	wrdreg $0xFFFFFFFF;
	(pc) =	sbr.abs _section_cstart, $3  }
0xc1: {  	[dreg:$0x1] =	wrdreg $0xFFFFFFFF  }
0xc2: {  	_ =	task.clear_ibuf [dreg:s7], $0x2FFFF;
	_ =	strace $0x9FFFFFFF  }
0xc3: {  	(tm) =	ssettm $0x7FFFFFFF  }
tec
execute0_lowered:
.L_overlay_start_1:
0x0: {  	(tag) =	ssettag $0x1  }
0x1: {  	s0 =	rddreg [dreg:$0x0]  }
0x2: {  	s2 =	rddreg [dreg:$0x1]  }
0x3: {  	s1 =	rddreg [dreg:$0x2]  }
0x4: {  	s3 =	srdreg.scid;
	s9 =	stileid.u32;
	s14 =	simm.s32 $0xB  }
0x5: {  	s16 =	simm.s32 $0x7D;
	s17 =	simm.s32 $0xA000;
	s19 =	simm.s32 $0xBF40  }
0x6: {  	s21 =	simm.s32 $0xDE80;
	s28 =	simm.s32 $0x1;
	s29 =	simm.s32 $0x2  }
0x7: {  	s30 =	simm.s32 $0x3;
	s31 =	simm.s32 $0x4;
	s6 =	smul.u32 $0xA00, s9  }
0x8: {  	s15 =	simm.s32 $0x6;
	s18 =	simm.s32 $0x7;
	s7 =	smul.u32 $0x1400, s9  }
0x9: {  	s4 =	sand.u32 $0x1, s3;
	s3 =	simm.s32 $0x0;
	s9 =	smul.u32 $0x28000, s9  }
0xa: {  	s20 =	simm.s32 $0x8;
	s5 =	smul.u32 $0x14000, s4;
	[smem:$0x7FF] =	sst s3  }
0xb: {  	s4 =	ssub.s32 $0x2, s4;
	_ =	strace $0x8000004A;
	s10 =	sadd.s32 s6, s0  }
0xc: {  	s22 =	sshrl.u32 s4, $0x1;
	s23 =	sshrl.u32 s9, $0x2;
	s2 =	sadd.s32 s2, s6  }
0xd: {  	s8 =	sadd.s32 s5, s0;
	s5 =	sadd.s32 s7, s5;
	s4 =	ssub.s32 s4, s22  }
0xe: {  	[dreg:$0x4] =	wrdreg s2;
	s24 =	sadd.s32 $0x7B000, s10;
	s6 =	sadd.s32 s23, s1  }
0xf: {  	s23 =	simm.s32 $0xFDC0;
	s22 =	simm.s32 $0x9;
	s2 =	simm.s32 $0xA  }
0x10: {  	s0 =	sadd.s32 s5, s0;
	[dreg:$0x5] =	wrdreg s24;
	s7 =	sadd.s32 $0x53000, s8  }
0x11: {  	s25 =	sadd.s32 $0x2000, s6;
	s26 =	sadd.s32 $0x4000, s6;
	s10 =	sadd.s32 $0x6000, s6  }
0x12: {  	s11 =	sadd.s32 $0x8000, s6;
	s13 =	smax.u32 s4, $0x1;
	[dreg:$0x6] =	wrdreg s25  }
0x13: {  	s24 =	simm.s32 $0x0;
	[dreg:$0x7] =	wrdreg s26;
	s12 =	sadd.s32 $0x85000, s0  }
0x14: {  	v0 =	vimm.f32 $0.0e+00;
	s25 =	simm.s32 $0x11D00;
	s26 =	simm.s32 $0x13C40;
	s0 =	simm.s32 $0x5  }
.LBB2_1:
0x15: {  	s4 =	rddreg [dreg:$0x4]  }
0x16: {  	[tilespmem:s3], [sflag:$0xB] =	stream.linear.gather [hbm4b:s4+s3], $0x5000, $0x38;
	[tilespmem:$0x1FC40] =	vst v63  }
0x17: {  	_ =	swait.ge [sflag:s14], $0x5000  }
0x18: {  	[sflag:s14] =	ssyncset.done $0x0  }
0x19: {  	s5 =	simm.s32 $0x5000;
	s9 =	rddreg [dreg:$0x5];
	[sflag:s14] =	ssyncadd.s32 $0xFFFFB000  }
0x1a: {  	[tilespmem:s5], [sflag:$0xB] =	stream.linear.gather [hbm4b:s9+s3], $0x5000, $0x38;
	[tilespmem:$0x1FC40] =	vst v63  }
0x1b: {  	_ =	swait.ge [sflag:s14], $0x5000  }
0x1c: {  	[sflag:s14] =	ssyncset.done $0x0  }
0x1d: {  	[sflag:s14] =	ssyncadd.s32 $0xFFFFB000  }
0x1e: {  	[tilespmem:s17], [sflag:$0x1] =	stream.indirect.gather [hbm4b:s7+s16], $0x40, s3, s16, $0xb8;
	[tilespmem:$0x1FC40] =	vst v63  }
0x1f: {  	s5 =	simm.s32 $0x80  }
0x20: {  	[tilespmem:s19], [sflag:$0x2] =	stream.indirect.gather [hbm4b:s7+s16], $0x40, s5, s16, $0xb8;
	[tilespmem:$0x1FC40] =	vst v63  }
0x21: {  	s8 =	simm.s32 $0x100  }
0x22: {  	[tilespmem:s21], [sflag:$0x3] =	stream.indirect.gather [hbm4b:s7+s16], $0x40, s8, s16, $0xb8;
	[tilespmem:$0x1FC40] =	vst v63  }
0x23: {  	s9 =	simm.s32 $0x180;
	s8 =	sand.u32 $0x7F00, s3  }
0x24: {  	[tilespmem:s23], [sflag:$0x4] =	stream.indirect.gather [hbm4b:s7+s16], $0x40, s9, s16, $0xb8;
	[tilespmem:$0x1FC40] =	vst v63  }
0x25: {  	s5 =	simm.s32 $0x200;
	s8 =	sshrl.u32 s8, $0x2;
	s9 =	sand.u32 $0x30, s3  }
0x26: {  	[tilespmem:s25], [sflag:$0x5] =	stream.indirect.gather [hbm4b:s7+s16], $0x40, s5, s16, $0xb8;
	[tilespmem:$0x1FC40] =	vst v63  }
0x27: {  	s4 =	simm.s32 $0x40;
	s8 =	sor.u32 s9, s8;
	s5 =	simm.s32 $0x0  }
.LBB2_2:
0x28: {  	p0 =	sne.s32 s4, $0x7FC0  }
0x29: {  	[tilespmem:s8+$0x13C40] =	vst v0;
	s5 =	sadd.s32 $0x10, s5;
	s8 =	smov.u32 s4;
	s4 =	sadd.s32 $0x40, s4  }
.Ltmp0:
0x2a: {  	(pc) =	sbr.rel @p0 .LBB2_2-.Ltmp0, $4  }
0x2b: {  	_ = 	snop  }
0x2c: {  	s8 =	sand.u32 $0x7F00, s8  }
0x2d: {  	s9 =	sand.u32 $0x30, s5;
	s8 =	sshrl.u32 s8, $0x2  }
0x2e: {  	s8 =	sor.u32 s9, s8  }
0x2f: {  	[tilespmem:s8+$0x13C40] =	vst v0  }
0x30: {  	[spmem:s6] =	stream.linear.scatter [tilespmem:s26], [sflag:$0xB], $0x2000, $0x38;
	[tilespmem:$0x1FC40] =	vst v63  }
0x31: {  	_ =	swait.ge [sflag:s14], $0x2000  }
0x32: {  	[sflag:s14] =	ssyncset.done $0x0  }
0x33: {  	s4 =	rddreg [dreg:$0x6];
	[sflag:s14] =	ssyncadd.s32 $0xFFFFE000  }
0x34: {  	[spmem:s4] =	stream.linear.scatter [tilespmem:s26], [sflag:$0xB], $0x2000, $0x38;
	[tilespmem:$0x1FC40] =	vst v63  }
0x35: {  	_ =	swait.ge [sflag:s14], $0x2000  }
0x36: {  	[sflag:s14] =	ssyncset.done $0x0  }
0x37: {  	s9 =	rddreg [dreg:$0x7];
	[sflag:s14] =	ssyncadd.s32 $0xFFFFE000  }
0x38: {  	[spmem:s9] =	stream.linear.scatter [tilespmem:s26], [sflag:$0xB], $0x2000, $0x38;
	[tilespmem:$0x1FC40] =	vst v63  }
0x39: {  	_ =	swait.ge [sflag:s14], $0x2000  }
0x3a: {  	[sflag:s14] =	ssyncset.done $0x0  }
0x3b: {  	[sflag:s14] =	ssyncadd.s32 $0xFFFFE000  }
0x3c: {  	[spmem:s10] =	stream.linear.scatter [tilespmem:s26], [sflag:$0xB], $0x2000, $0x38;
	[tilespmem:$0x1FC40] =	vst v63  }
0x3d: {  	_ =	swait.ge [sflag:s14], $0x2000  }
0x3e: {  	[sflag:s14] =	ssyncset.done $0x0  }
0x3f: {  	[sflag:s14] =	ssyncadd.s32 $0xFFFFE000  }
0x40: {  	[spmem:s11] =	stream.linear.scatter [tilespmem:s26], [sflag:$0xB], $0x2000, $0x38;
	[tilespmem:$0x1FC40] =	vst v63  }
0x41: {  	_ =	swait.ge [sflag:s14], $0x2000  }
0x42: {  	[sflag:s14] =	ssyncset.done $0x0  }
0x43: {  	[sflag:s14] =	ssyncadd.s32 $0xFFFFE000  }
0x44: {  	[bflag:$0x0] =	sbarrier.arrive $0xFFFF  }
0x45: {  	_ =	swait.ge [sflag:s28], $0x1F40  }
0x46: {  	[sflag:s28] =	ssyncset.done $0x0  }
0x47: {  	s5 =	simm.s32 $0x5000;
	[sflag:s28] =	ssyncadd.s32 $0xFFFFE0C0  }
0x48: {  	[spmem:s1] =	stream.indirect.scatter.add.f32 [tilespmem:s17], [sflag:$0x6], $0x40, s5, s16, $0xb8;
	[tilespmem:$0x1FC40] =	vst v63  }
0x49: {  	_ =	swait.ge [sflag:s29], $0x1F40  }
0x4a: {  	[sflag:s29] =	ssyncset.done $0x0  }
0x4b: {  	s8 =	simm.s32 $0x5080;
	[sflag:s29] =	ssyncadd.s32 $0xFFFFE0C0  }
0x4c: {  	[spmem:s1] =	stream.indirect.scatter.add.f32 [tilespmem:s19], [sflag:$0x7], $0x40, s8, s16, $0xb8;
	[tilespmem:$0x1FC40] =	vst v63  }
0x4d: {  	_ =	swait.ge [sflag:s30], $0x1F40  }
0x4e: {  	[sflag:s30] =	ssyncset.done $0x0  }
0x4f: {  	s9 =	simm.s32 $0x5100;
	[sflag:s30] =	ssyncadd.s32 $0xFFFFE0C0  }
0x50: {  	[spmem:s1] =	stream.indirect.scatter.add.f32 [tilespmem:s21], [sflag:$0x8], $0x40, s9, s16, $0xb8;
	[tilespmem:$0x1FC40] =	vst v63  }
0x51: {  	_ =	swait.ge [sflag:s31], $0x1F40  }
0x52: {  	[sflag:s31] =	ssyncset.done $0x0  }
0x53: {  	s5 =	simm.s32 $0x5180;
	[sflag:s31] =	ssyncadd.s32 $0xFFFFE0C0  }
0x54: {  	[spmem:s1] =	stream.indirect.scatter.add.f32 [tilespmem:s23], [sflag:$0x9], $0x40, s5, s16, $0xb8;
	[tilespmem:$0x1FC40] =	vst v63  }
0x55: {  	_ =	swait.ge [sflag:s0], $0x1F40  }
0x56: {  	[sflag:s0] =	ssyncset.done $0x0  }
0x57: {  	s8 =	simm.s32 $0x5200;
	[sflag:s0] =	ssyncadd.s32 $0xFFFFE0C0  }
0x58: {  	[spmem:s1] =	stream.indirect.scatter.add.f32 [tilespmem:s25], [sflag:$0xA], $0x40, s8, s16, $0xb8;
	[tilespmem:$0x1FC40] =	vst v63  }
0x59: {  	_ =	swait.ge [sflag:s15], $0x1F40  }
0x5a: {  	[sflag:s15] =	ssyncset.done $0x0  }
0x5b: {  	s9 =	simm.s32 $0x280;
	[sflag:s15] =	ssyncadd.s32 $0xFFFFE0C0  }
0x5c: {  	[tilespmem:s17], [sflag:$0x1] =	stream.indirect.gather [hbm4b:s7+s16], $0x40, s9, s16, $0xb8;
	[tilespmem:$0x1FC40] =	vst v63  }
0x5d: {  	_ =	swait.ge [sflag:s18], $0x1F40  }
0x5e: {  	[sflag:s18] =	ssyncset.done $0x0  }
0x5f: {  	s5 =	simm.s32 $0x300;
	[sflag:s18] =	ssyncadd.s32 $0xFFFFE0C0  }
0x60: {  	[tilespmem:s19], [sflag:$0x2] =	stream.indirect.gather [hbm4b:s7+s16], $0x40, s5, s16, $0xb8;
	[tilespmem:$0x1FC40] =	vst v63  }
0x61: {  	_ =	swait.ge [sflag:s20], $0x1F40  }
0x62: {  	[sflag:s20] =	ssyncset.done $0x0  }
0x63: {  	s8 =	simm.s32 $0x380;
	[sflag:s20] =	ssyncadd.s32 $0xFFFFE0C0  }
0x64: {  	[tilespmem:s21], [sflag:$0x3] =	stream.indirect.gather [hbm4b:s7+s16], $0x40, s8, s16, $0xb8;
	[tilespmem:$0x1FC40] =	vst v63  }
0x65: {  	_ =	swait.ge [sflag:s22], $0x1F40  }
0x66: {  	[sflag:s22] =	ssyncset.done $0x0  }
0x67: {  	s9 =	simm.s32 $0x400;
	[sflag:s22] =	ssyncadd.s32 $0xFFFFE0C0  }
0x68: {  	[tilespmem:s23], [sflag:$0x4] =	stream.indirect.gather [hbm4b:s7+s16], $0x40, s9, s16, $0xb8;
	[tilespmem:$0x1FC40] =	vst v63  }
0x69: {  	_ =	swait.ge [sflag:s2], $0x1F40  }
0x6a: {  	[sflag:s2] =	ssyncset.done $0x0  }
0x6b: {  	s4 =	simm.s32 $0xA00;
	s5 =	simm.s32 $0x480;
	[sflag:s2] =	ssyncadd.s32 $0xFFFFE0C0  }
.LBB2_4:
0x6c: {  	[tilespmem:s25], [sflag:$0x5] =	stream.indirect.gather [hbm4b:s7+s16], $0x40, s5, s16, $0xb8;
	[tilespmem:$0x1FC40] =	vst v63  }
0x6d: {  	s5 =	smov.u32 s4  }
0x6e: {  	p0 =	sne.s32 s4, $0x12C00;
	s4 =	sadd.s32 $0xA00, s4;
	_ =	swait.ge [sflag:s28], $0x1F40  }
0x6f: {  	s5 =	sshra.s32 s5, $0x2;
	[sflag:s28] =	ssyncset.done $0x0  }
0x70: {  	s8 =	sadd.s32 $0x5000, s5;
	[sflag:s28] =	ssyncadd.s32 $0xFFFFE0C0  }
0x71: {  	[spmem:s1] =	stream.indirect.scatter.add.f32 [tilespmem:s17], [sflag:$0x6], $0x40, s8, s16, $0xb8;
	[tilespmem:$0x1FC40] =	vst v63  }
0x72: {  	_ =	swait.ge [sflag:s29], $0x1F40  }
0x73: {  	[sflag:s29] =	ssyncset.done $0x0  }
0x74: {  	s8 =	sadd.s32 $0x5080, s5;
	[sflag:s29] =	ssyncadd.s32 $0xFFFFE0C0  }
0x75: {  	[spmem:s1] =	stream.indirect.scatter.add.f32 [tilespmem:s19], [sflag:$0x7], $0x40, s8, s16, $0xb8;
	[tilespmem:$0x1FC40] =	vst v63  }
0x76: {  	_ =	swait.ge [sflag:s30], $0x1F40  }
0x77: {  	[sflag:s30] =	ssyncset.done $0x0  }
0x78: {  	s8 =	sadd.s32 $0x5100, s5;
	[sflag:s30] =	ssyncadd.s32 $0xFFFFE0C0  }
0x79: {  	[spmem:s1] =	stream.indirect.scatter.add.f32 [tilespmem:s21], [sflag:$0x8], $0x40, s8, s16, $0xb8;
	[tilespmem:$0x1FC40] =	vst v63  }
0x7a: {  	_ =	swait.ge [sflag:s31], $0x1F40  }
0x7b: {  	[sflag:s31] =	ssyncset.done $0x0  }
0x7c: {  	s8 =	sadd.s32 $0x5180, s5;
	[sflag:s31] =	ssyncadd.s32 $0xFFFFE0C0  }
0x7d: {  	[spmem:s1] =	stream.indirect.scatter.add.f32 [tilespmem:s23], [sflag:$0x9], $0x40, s8, s16, $0xb8;
	[tilespmem:$0x1FC40] =	vst v63  }
0x7e: {  	_ =	swait.ge [sflag:s0], $0x1F40  }
0x7f: {  	[sflag:s0] =	ssyncset.done $0x0  }
0x80: {  	s8 =	sadd.s32 $0x5200, s5;
	[sflag:s0] =	ssyncadd.s32 $0xFFFFE0C0  }
0x81: {  	[spmem:s1] =	stream.indirect.scatter.add.f32 [tilespmem:s25], [sflag:$0xA], $0x40, s8, s16, $0xb8;
	[tilespmem:$0x1FC40] =	vst v63  }
0x82: {  	_ =	swait.ge [sflag:s15], $0x1F40  }
0x83: {  	[sflag:s15] =	ssyncset.done $0x0  }
0x84: {  	s8 =	sadd.s32 $0x280, s5;
	[sflag:s15] =	ssyncadd.s32 $0xFFFFE0C0  }
0x85: {  	[tilespmem:s17], [sflag:$0x1] =	stream.indirect.gather [hbm4b:s7+s16], $0x40, s8, s16, $0xb8;
	[tilespmem:$0x1FC40] =	vst v63  }
0x86: {  	_ =	swait.ge [sflag:s18], $0x1F40  }
0x87: {  	[sflag:s18] =	ssyncset.done $0x0  }
0x88: {  	s8 =	sadd.s32 $0x300, s5;
	[sflag:s18] =	ssyncadd.s32 $0xFFFFE0C0  }
0x89: {  	[tilespmem:s19], [sflag:$0x2] =	stream.indirect.gather [hbm4b:s7+s16], $0x40, s8, s16, $0xb8;
	[tilespmem:$0x1FC40] =	vst v63  }
0x8a: {  	_ =	swait.ge [sflag:s20], $0x1F40  }
0x8b: {  	[sflag:s20] =	ssyncset.done $0x0  }
0x8c: {  	s8 =	sadd.s32 $0x380, s5;
	[sflag:s20] =	ssyncadd.s32 $0xFFFFE0C0  }
0x8d: {  	[tilespmem:s21], [sflag:$0x3] =	stream.indirect.gather [hbm4b:s7+s16], $0x40, s8, s16, $0xb8;
	[tilespmem:$0x1FC40] =	vst v63  }
0x8e: {  	_ =	swait.ge [sflag:s22], $0x1F40  }
0x8f: {  	[sflag:s22] =	ssyncset.done $0x0  }
.Ltmp1:
0x90: {  	s8 =	sadd.s32 $0x400, s5;
	[sflag:s22] =	ssyncadd.s32 $0xFFFFE0C0;
	(pc) =	sbr.rel @p0 .LBB2_4-.Ltmp1, $4  }
0x91: {  	[tilespmem:s23], [sflag:$0x4] =	stream.indirect.gather [hbm4b:s7+s16], $0x40, s8, s16, $0xb8;
	[tilespmem:$0x1FC40] =	vst v63  }
0x92: {  	_ =	swait.ge [sflag:s2], $0x1F40  }
0x93: {  	[sflag:s2] =	ssyncset.done $0x0  }
0x94: {  	s5 =	sadd.s32 $0x480, s5;
	[sflag:s2] =	ssyncadd.s32 $0xFFFFE0C0  }
0x95: {  	[tilespmem:s25], [sflag:$0x5] =	stream.indirect.gather [hbm4b:s7+s16], $0x40, s5, s16, $0xb8;
	[tilespmem:$0x1FC40] =	vst v63  }
0x96: {  	_ =	swait.ge [sflag:s28], $0x1F40  }
0x97: {  	[sflag:s28] =	ssyncset.done $0x0  }
0x98: {  	s4 =	simm.s32 $0x9D80;
	[sflag:s28] =	ssyncadd.s32 $0xFFFFE0C0  }
0x99: {  	[spmem:s1] =	stream.indirect.scatter.add.f32 [tilespmem:s17], [sflag:$0x6], $0x40, s4, s16, $0xb8;
	[tilespmem:$0x1FC40] =	vst v63  }
0x9a: {  	_ =	swait.ge [sflag:s29], $0x1F40  }
0x9b: {  	[sflag:s29] =	ssyncset.done $0x0  }
0x9c: {  	s5 =	simm.s32 $0x9E00;
	[sflag:s29] =	ssyncadd.s32 $0xFFFFE0C0  }
0x9d: {  	[spmem:s1] =	stream.indirect.scatter.add.f32 [tilespmem:s19], [sflag:$0x7], $0x40, s5, s16, $0xb8;
	[tilespmem:$0x1FC40] =	vst v63  }
0x9e: {  	_ =	swait.ge [sflag:s30], $0x1F40  }
0x9f: {  	[sflag:s30] =	ssyncset.done $0x0  }
0xa0: {  	s8 =	simm.s32 $0x9E80;
	[sflag:s30] =	ssyncadd.s32 $0xFFFFE0C0  }
0xa1: {  	[spmem:s1] =	stream.indirect.scatter.add.f32 [tilespmem:s21], [sflag:$0x8], $0x40, s8, s16, $0xb8;
	[tilespmem:$0x1FC40] =	vst v63  }
0xa2: {  	_ =	swait.ge [sflag:s31], $0x1F40  }
0xa3: {  	[sflag:s31] =	ssyncset.done $0x0  }
0xa4: {  	s9 =	simm.s32 $0x9F00;
	[sflag:s31] =	ssyncadd.s32 $0xFFFFE0C0  }
0xa5: {  	[spmem:s1] =	stream.indirect.scatter.add.f32 [tilespmem:s23], [sflag:$0x9], $0x40, s9, s16, $0xb8;
	[tilespmem:$0x1FC40] =	vst v63  }
0xa6: {  	_ =	swait.ge [sflag:s0], $0x1F40  }
0xa7: {  	[sflag:s0] =	ssyncset.done $0x0  }
0xa8: {  	s5 =	simm.s32 $0x9F80;
	[sflag:s0] =	ssyncadd.s32 $0xFFFFE0C0  }
0xa9: {  	[spmem:s1] =	stream.indirect.scatter.add.f32 [tilespmem:s25], [sflag:$0xA], $0x40, s5, s16, $0xb8;
	[tilespmem:$0x1FC40] =	vst v63  }
0xaa: {  	_ =	swait.ge [sflag:s15], $0x1F40  }
0xab: {  	[sflag:s15] =	ssyncset.done $0x0  }
0xac: {  	[sflag:s15] =	ssyncadd.s32 $0xFFFFE0C0  }
0xad: {  	_ =	swait.ge [sflag:s18], $0x1F40  }
0xae: {  	[sflag:s18] =	ssyncset.done $0x0  }
0xaf: {  	[sflag:s18] =	ssyncadd.s32 $0xFFFFE0C0  }
0xb0: {  	_ =	swait.ge [sflag:s20], $0x1F40  }
0xb1: {  	[sflag:s20] =	ssyncset.done $0x0  }
0xb2: {  	[sflag:s20] =	ssyncadd.s32 $0xFFFFE0C0  }
0xb3: {  	_ =	swait.ge [sflag:s22], $0x1F40  }
0xb4: {  	[sflag:s22] =	ssyncset.done $0x0  }
0xb5: {  	[sflag:s22] =	ssyncadd.s32 $0xFFFFE0C0  }
0xb6: {  	s8 =	stileid.u32;
	_ =	swait.ge [sflag:s2], $0x1F40  }
0xb7: {  	s24 =	sadd.s32 $0x1, s24;
	s4 =	sshll.u32 s8, $0x6;
	[sflag:s2] =	ssyncset.done $0x0  }
0xb8: {  	p0 =	sne.s32 s24, s13;
	s4 =	sor.u32 $0x1C0B, s4;
	[sflag:s2] =	ssyncadd.s32 $0xFFFFE0C0  }
.Ltmp2:
0xb9: {  	s9 =	sshrl.u32 s6, $0x3;
	[bflag:$0x0] =	sbarrier.arrive $0xFFFF;
	(pc) =	sbr.rel @p0 .LBB2_1-.Ltmp2, $4  }
0xba: {  	[hbm:s12], [sflag:s4] =	dma.local [spmem:s9], $0x1400  }
0xbb: {  	_ =	swait.ge [sflag:s14], $0x1400  }
0xbc: {  	[sflag:s14] =	ssyncset.done $0x0  }
0xbd: {  	[sflag:s14] =	ssyncadd.s32 $0xFFFFEC00  }
0xbe: {  	_ =	sfence.sel $0x180000  }
0xbf: {  	[bflag:$0x0] =	sbarrier.arrive $0xFFFF  }
0xc0: {  	_ =	strace $0x9000004A  }
0xc1: {  	s0 =	stileid.u32;
	[bflag:$0x2] =	sbarrier.arrive $0xFFFF  }
0xc2: {  	p0 =	sne.s32 s0, $0x0;
	s0 =	rddreg [dreg:$0x3]  }
0xc3: {  	s0 =	sadd.s32 @!p0 $0x100000, s0  }
0xc4: {  	[sflag:s0] =	ssyncadd.tile.s32 @!p0 $0x1;
	_ =	shalt  }
.Lfunc_end2:
_tile_overlayer_lowered:
.L_overlay_start_2:
0xc5: {  	(tag) =	ssettag $0x2  }
0xc6: {  	s0 =	rddreg [dreg:$0x0];
	s2 =	stileid.u32  }
0xc7: {  	s1 =	rddreg [dreg:$0x1];
	p0 =	sne.s32 s2, $0x0  }
0xc8: {  	s3 =	rddreg [dreg:$0x2];
	[bflag:$0x3] =	sbarrier.arrive $0xFFFF;
	s2 =	simm.s32 @!p0 $0x1C0B  }
0xc9: {  	[timem:s3], [sflag:s2] =	dma.local @!p0 [hbm:s0], s1  }
0xca: {  	s0 =	simm.s32 @!p0 $0xB  }
0xcb: {  	_ =	swait.ge @!p0 [sflag:s0], s1  }
0xcc: {  	s1 =	ssub.s32 @!p0 $0x0, s1;
	[sflag:s0] =	ssyncset.done @!p0 $0x0  }
0xcd: {  	[sflag:s0] =	ssyncadd.s32 @!p0 s1  }
0xce: {  	[bflag:$0x3] =	sbarrier.arrive $0xFFFF  }
0xcf: {  	_ =	shalt  }

// kernel: kernel.3.cloned.1.call-start
scs
__scs_entry_jumppad:
0x0: {  	(pc) =	sbr.rel $0x88, $3  }
0x1: {  	(tag) =	ssettag $0x0;
	lr =	simm.s32 $0x1  }
0x2: {  	[smem:$0x3F96] =	sst lr;
	_ =	strace $0xD0000000  }
0x3: {  	_ = 	snop  }
0x4: {  	_ = 	snop  }
0x5: {  	_ = 	snop  }
0x6: {  	_ = 	snop  }
0x7: {  	_ = 	snop  }
__scs_overlays_trampoline_lowered:
0x8: {  	[smem:$0x3FA5] =	sst s0  }
0x9: {  	[smem:$0x3FA6] =	sst s1  }
0xa: {  	[smem:$0x3FA7] =	sst s2  }
0xb: {  	[smem:$0x3FA8] =	sst s3  }
0xc: {  	[smem:$0x3FA9] =	sst s4  }
0xd: {  	[smem:$0x3FAA] =	sst s5  }
0xe: {  	[smem:$0x3FAB] =	sst s6  }
0xf: {  	[smem:$0x3FAC] =	sst s7  }
0x10: {  	[smem:$0x3FAD] =	sst s8  }
0x11: {  	[smem:$0x3FAE] =	sst s9;
	s0 =	simm.s32 @!p0 $0x0  }
0x12: {  	s1 =	sld [smem:$0x3F94];
	s0 =	simm.s32 @p0 $0x1  }
0x13: {  	[smem:$0x3FAF] =	sst s0;
	s0 =	simm.s32 @!p1 $0x0  }
0x14: {  	s2 =	sld [smem:$0x3F93];
	s0 =	simm.s32 @p1 $0x1  }
0x15: {  	[smem:$0x3FB0] =	sst s0;
	s0 =	simm.s32 @!p2 $0x0  }
0x16: {  	s3 =	sld [smem:$0x3FDB];
	s0 =	simm.s32 @p2 $0x1  }
0x17: {  	s4 =	simm.s32 $0x1BF5;
	[smem:$0x3FB2] =	sst s0  }
0x18: {  	s0 =	sld [smem:$0x3F95];
	_ =	swait.ge [sflag:s4], $0x0  }
0x19: {  	s7 =	sld [smem:$0x3F96]  }
0x1a: {  	s8 =	sadd.s32 $0xFFFFE003, lr  }
0x1b: {  	s9 =	sadd.s32 $0xFFFFFEF7, lr;
	s5 =	simm.s32 $0xFFFFFFFF;
	p2 =	slt.u32 s8, $0xFFFFF086  }
0x1c: {  	p1 =	slt.u32 s9, $0xF7A;
	s5 =	simm.s32 @!p2 $0x0  }
0x1d: {  	s5 =	simm.s32 @p1 $0x1;
	p0 =	seq.s32 s7, s2  }
0x1e: {  	s7 =	smul.u32 @!p0 $0xF7A, s2;
	p2 =	seq.s32 @!p0 s5, $0x0  }
0x1f: {  	s9 =	smul.u32 $0xF7A, s1;
	s8 =	simm.s32 @!p0 $0x1BF5;
	p2 =	por !p2, p0  }
0x20: {  	[sflag:s8] =	ssyncset.s32 @!p0 $0xFFFFF086;
	s6 =	sadd.s32 @!p0 s3, s7;
	s7 =	simm.s32 @!p0 $0x108  }
0x21: {  	s3 =	sadd.s32 s3, s9;
	s6 =	sadd.s32 @!p0 $0x88, s6;
	s7 =	simm.s32 @p2 $0x1082  }
0x22: {  	[simem:s7], [sflag:s8] =	dma.local @!p0 [hbm:s6], $0xF7A  }
0x23: {  	s9 =	sor.u32 $0xD0000000, s2;
	s6 =	simm.s32 $0x108;
	_ =	swait.ge @!p0 [sflag:s8], $0x0  }
0x24: {  	s3 =	sadd.s32 $0x88, s3;
	s6 =	simm.s32 @!p1 $0x1082;
	[sflag:s4] =	ssyncset.s32 $0xFFFFF086  }
0x25: {  	[simem:s6], [sflag:s4] =	dma.local [hbm:s3], $0xF7A  }
0x26: {  	[smem:$0x3F96] =	sst s1;
	(tag) =	ssettag s2;
	_ =	strace s9  }
0x27: {  	s1 =	sld [smem:$0x3FA6]  }
0x28: {  	s2 =	sld [smem:$0x3FA7]  }
0x29: {  	s4 =	sld [smem:$0x3FA9]  }
0x2a: {  	p0 =	seq.s32 s5, $0x0;
	s5 =	sld [smem:$0x3FAA]  }
0x2b: {  	s6 =	sld [smem:$0x3FAB]  }
0x2c: {  	s7 =	sld [smem:$0x3FAC]  }
0x2d: {  	s3 =	simm.s32 $0x108;
	s8 =	sld [smem:$0x3FAD]  }
0x2e: {  	s3 =	simm.s32 @!p0 $0x1082;
	s9 =	sld [smem:$0x3FAE]  }
0x2f: {  	lr =	sadd.s32 s0, s3;
	s0 =	sld [smem:$0x3FA5]  }
0x30: {  	s3 =	sld [smem:$0x3FA8]  }
0x31: {  	[smem:$0x3FB1] =	sst s10  }
0x32: {  	s10 =	sld [smem:$0x3FAF];
	_ =	sdelay $0x3  }
0x33: {  	p0 =	seq.s32 s10, $0x1;
	s10 =	sld [smem:$0x3FB1];
	_ =	sdelay $0x3  }
0x34: {  	[smem:$0x3FB1] =	sst s10  }
0x35: {  	s10 =	sld [smem:$0x3FB0];
	_ =	sdelay $0x3  }
0x36: {  	p1 =	seq.s32 s10, $0x1;
	s10 =	sld [smem:$0x3FB1];
	_ =	sdelay $0x3  }
0x37: {  	[smem:$0x3FB1] =	sst s10  }
0x38: {  	s10 =	sld [smem:$0x3FB2]  }
0x39: {  	_ = 	snop;
	(pc) =	sbr.ind lr, $3  }
0x3a: {  	_ = 	snop  }
0x3b: {  	_ = 	snop  }
0x3c: {  	p2 =	seq.s32 s10, $0x1;
	s10 =	sld [smem:$0x3FB1]  }
0x3d: {  	_ =	shalt  }
0x3e: {  	_ =	shalt  }
0x3f: {  	_ =	shalt  }
0x40: {  	_ =	shalt  }
0x41: {  	_ =	shalt  }
0x42: {  	_ =	shalt  }
0x43: {  	_ =	shalt  }
0x44: {  	_ =	shalt  }
0x45: {  	_ =	shalt  }
0x46: {  	_ =	shalt  }
0x47: {  	_ =	shalt  }
0x48: {  	_ =	shalt  }
0x49: {  	_ =	shalt  }
0x4a: {  	_ =	shalt  }
0x4b: {  	_ =	shalt  }
0x4c: {  	_ =	shalt  }
0x4d: {  	_ =	shalt  }
0x4e: {  	_ =	shalt  }
0x4f: {  	_ =	shalt  }
0x50: {  	_ =	shalt  }
0x51: {  	_ =	shalt  }
0x52: {  	_ =	shalt  }
0x53: {  	_ =	shalt  }
0x54: {  	_ =	shalt  }
0x55: {  	_ =	shalt  }
0x56: {  	_ =	shalt  }
0x57: {  	_ =	shalt  }
0x58: {  	_ =	shalt  }
0x59: {  	_ =	shalt  }
0x5a: {  	_ =	shalt  }
0x5b: {  	_ =	shalt  }
0x5c: {  	_ =	shalt  }
0x5d: {  	_ =	shalt  }
0x5e: {  	_ =	shalt  }
0x5f: {  	_ =	shalt  }
0x60: {  	_ =	shalt  }
0x61: {  	_ =	shalt  }
0x62: {  	_ =	shalt  }
0x63: {  	_ =	shalt  }
0x64: {  	_ =	shalt  }
0x65: {  	_ =	shalt  }
0x66: {  	_ =	shalt  }
0x67: {  	_ =	shalt  }
0x68: {  	_ =	shalt  }
0x69: {  	_ =	shalt  }
0x6a: {  	_ =	shalt  }
0x6b: {  	_ =	shalt  }
0x6c: {  	_ =	shalt  }
0x6d: {  	_ =	shalt  }
0x6e: {  	_ =	shalt  }
0x6f: {  	_ =	shalt  }
0x70: {  	_ =	shalt  }
0x71: {  	_ =	shalt  }
0x72: {  	_ =	shalt  }
0x73: {  	_ =	shalt  }
0x74: {  	_ =	shalt  }
0x75: {  	_ =	shalt  }
0x76: {  	_ =	shalt  }
0x77: {  	_ =	shalt  }
0x78: {  	_ =	shalt  }
0x79: {  	_ =	shalt  }
0x7a: {  	_ =	shalt  }
0x7b: {  	_ =	shalt  }
0x7c: {  	_ =	shalt  }
0x7d: {  	_ =	shalt  }
0x7e: {  	_ =	shalt  }
0x7f: {  	_ =	shalt  }
0x80: {  	_ =	shalt  }
0x81: {  	_ =	shalt  }
0x82: {  	_ =	shalt  }
0x83: {  	_ =	shalt  }
0x84: {  	_ =	shalt  }
0x85: {  	_ =	shalt  }
0x86: {  	_ =	shalt  }
0x87: {  	_ =	shalt  }
.Lfunc_end0:
.L_simem_size_0:
called_computation.1_lowered:
.L_overlay_start_0:
0x88: {  	s2 =	sld [smem:$0x3FD9]  }
0x89: {  	s3 =	sld [smem:$0x3FFE];
	_ =	sdelay $0x1  }
0x8a: {  	s1 =	srdreg.scid  }
0x8b: {  	s0 =	sand.u32 $0x1, s1  }
0x8c: {  	s17 =	sshll.u32 s0, $0xA;
	s2 =	sadd.s32 s3, s2  }
0x8d: {  	s2 =	sadd.s32 s2, s17  }
0x8e: {  	[smem:$0x3FBD] =	sst s2  }
0x8f: {  	_ = 	snop  }
0x90: {  	s2 =	sld [smem:$0x3FD0];
	(tm) =	ssettm $0x1  }
0x91: {  	s18 =	sld [smem:$0x3FFB];
	_ =	sdelay $0x3  }
0x92: {  	_ =	strace s18  }
0x93: {  	s3 =	sld [smem:$0x3FFC];
	_ =	sdelay $0x3  }
0x94: {  	_ =	strace s3  }
0x95: {  	s3 =	sld [smem:$0x3FFD];
	_ =	sdelay $0x3  }
0x96: {  	_ =	strace s3  }
0x97: {  	_ =	strace $0x8FFFFFFF  }
0x98: {  	s19 =	sld [smem:$0x3FDB];
	_ =	sdelay $0x1  }
0x99: {  	s4 =	simm.s32 $_scs_section_size  }
0x9a: {  	s5 =	simm.s32 $_size__tile_overlayer_lowered;
	s6 =	simm.s32 $_tile_overlayer_lowered  }
0x9b: {  	s22 =	simm.s32 $0x1BFF;
	s21 =	sshll.u32 s6, $0x1;
	s3 =	sadd.s32 s4, s19  }
0x9c: {  	s7 =	simm.s32 $0x0;
	s20 =	sshll.u32 s5, $0x1;
	s5 =	sadd.s32 s21, s3  }
0x9d: {  	[timem:s7], [sflag:s22] =	dma.local [hbm:s5], s20  }
0x9e: {  	_ =	swait.ge [sflag:s22], s20  }
0x9f: {  	s4 =	ssub.s32 $0x0, s20;
	[sflag:s22] =	ssyncset.done $0x0  }
0xa0: {  	[sflag:s22] =	ssyncadd.s32 s4;
	_ =	sdelay $0x1  }
0xa1: {  	s23 =	simm.s32 $0x1B8B  }
0xa2: {  	_ =	swait.ge [sflag:s23], $0x1  }
0xa3: {  	[sflag:s23] =	ssyncset.done $0x0  }
0xa4: {  	s25 =	simm.s32 $0x1B8E;
	s24 =	sld [smem:$0x3FFE];
	[sflag:s23] =	ssyncadd.s32 $0xFFFFFFFF  }
0xa5: {  	s26 =	simm.s32 $execute0_lowered;
	[smem:$0x3FD2] =	sst s25  }
0xa6: {  	s5 =	sshll.u32 s26, $0x1;
	_ =	strace $0x80000046;
	[dreg:$0x1] =	wrdreg $0xFFFFFFFF  }
0xa7: {  	s28 =	simm.s32 $_size_execute0_lowered;
	s3 =	sadd.s32 s3, s5;
	[dreg:$0x0] =	wrdreg $0x0  }
0xa8: {  	s5 =	sshll.u32 s28, $0x1;
	[dreg:$0x2] =	wrdreg s3  }
0xa9: {  	[dreg:$0x3] =	wrdreg s5  }
0xaa: {  	[dreg:$0x4] =	wrdreg $0xC0  }
0xab: {  	_ =	task [dreg:s7], $0x5FFFF  }
0xac: {  	[dreg:$0x1] =	wrdreg $0xFFFFFFFF  }
0xad: {  	[dreg:$0x0] =	wrdreg $0x60  }
0xae: {  	[dreg:$0x2] =	wrdreg s2  }
0xaf: {  	[dreg:$0x3] =	wrdreg s24  }
0xb0: {  	[dreg:$0x4] =	wrdreg $0x3A200  }
0xb1: {  	[dreg:$0x5] =	wrdreg $0x9  }
0xb2: {  	_ =	task.clear_ibuf [dreg:s7], $0x6FFFF;
	_ =	strace $0x90000046  }
0xb3: {  	s29 =	simm.s32 $0x9;
	_ =	strace $0x80000048  }
0xb4: {  	_ =	swait.ge [sflag:s29], $0x1  }
0xb5: {  	[sflag:s29] =	ssyncadd.s32 $0xFFFFFFFF  }
0xb6: {  	_ =	strace $0x90000048  }
0xb7: {  	_ =	sfence  }
0xb8: {  	s30 =	sld [smem:$0x0];
	_ =	sdelay $0x2  }
0xb9: {  	s31 =	sshll.u32 s1, $0xD;
	s1 =	sshrl.u32 s1, $0x2  }
0xba: {  	s3 =	sand.u32 $0x4000, s31;
	s1 =	sadd.s32 s1, s30  }
0xbb: {  	s0 =	sor.u32 s3, s0;
	s1 =	sshll.u32 s1, $0x11  }
0xbc: {  	s0 =	sor.u32 s1, s0  }
0xbd: {  	s0 =	sadd.s32 $0x8F2B, s0  }
0xbe: {  	[sflag:s0] =	ssyncadd.remote.s32 $0x1  }
0xbf: {  	_ =	sfence.sel $0xFFFF  }
0xc0: {  	[dreg:$0x0] =	wrdreg $0xFFFFFFFF;
	(pc) =	sbr.abs _section_cstart, $3  }
0xc1: {  	[dreg:$0x1] =	wrdreg $0xFFFFFFFF  }
0xc2: {  	_ =	task.clear_ibuf [dreg:s7], $0x2FFFF;
	_ =	strace $0x9FFFFFFF  }
0xc3: {  	(tm) =	ssettm $0x7FFFFFFF  }
tec
execute0_lowered:
.L_overlay_start_1:
0x0: {  	(tag) =	ssettag $0x1  }
0x1: {  	s3 =	rddreg [dreg:$0x0]  }
0x2: {  	s4 =	rddreg [dreg:$0x1]  }
0x3: {  	s1 =	rddreg [dreg:$0x2]  }
0x4: {  	s2 =	srdreg.scid;
	s0 =	rddreg [dreg:$0x3]  }
0x5: {  	s19 =	stileid.u32;
	s13 =	simm.s32 $0x37A0;
	s14 =	simm.s32 $0x1  }
0x6: {  	s15 =	simm.s32 $0x7D;
	s16 =	simm.s32 $0x2;
	s17 =	simm.s32 $0x3  }
0x7: {  	s18 =	simm.s32 $0x4;
	s20 =	simm.s32 $0x2780;
	s22 =	simm.s32 $0x0  }
0x8: {  	s5 =	sand.u32 $0x1, s2;
	s2 =	simm.s32 $0x0;
	s28 =	smul.u32 $0xA00, s19  }
0x9: {  	s9 =	sadd.s32 $0x502400, s4;
	s12 =	smul.u32 $0x4E20, s19;
	p0 =	sne.s32 s19, $0x0  }
0xa: {  	s6 =	sshll.u32 s5, $0x4;
	[smem:$0x7FF] =	sst s2;
	s7 =	smul.u32 $0x500, s5  }
0xb: {  	s10 =	ssub.s32 $0x2, s5;
	s29 =	smul.u32 $0x4E200, s5;
	s6 =	sor.u32 s19, s6  }
0xc: {  	s21 =	sshrl.u32 @!p0 s1, $0x3;
	_ =	strace $0x80000047;
	s8 =	smul.u32 $0x500, s6  }
0xd: {  	s26 =	sshrl.u32 s10, $0x1;
	s31 =	sshrl.u32 s28, $0x2;
	s11 =	smul.u32 $0x4E20, s6  }
0xe: {  	s19 =	simm.s32 $0x2700;
	s7 =	sadd.s32 s7, s4;
	s6 =	smul.u32 $0x27100, s6  }
0xf: {  	s10 =	ssub.s32 s10, s26;
	s7 =	sadd.s32 $0x2400, s7;
	s3 =	sadd.s32 s3, s8  }
0x10: {  	s4 =	sadd.s32 s9, s11;
	s6 =	sshrl.u32 s6, $0x3;
	s8 =	smax.u32 s10, $0x1  }
0x11: {  	s10 =	simm.s32 $0x5;
	s30 =	sadd.s32 s9, s6;
	s9 =	sadd.s32 s29, s9  }
0x12: {  	s11 =	simm.s32 $0x2800;
	s6 =	sadd.s32 s31, s1;
	s9 =	sadd.s32 s12, s9  }
0x13: {  	v0 =	vimm.f32 $0.0e+00;
	s5 =	sadd.s32 $0xFA, s30;
	s12 =	simm.s32 $0x2FD0;
	s9 =	sadd.s32 $0x2EE, s9  }
.LBB2_1:
0x14: {  	[tilespmem:s2], [sflag:$0x5] =	stream.linear.gather [hbm4b:s3+s2], $0x2800, $0x38;
	[tilespmem:$0x3CA0] =	vst v63  }
0x15: {  	_ =	swait.ge [sflag:s10], $0x2800  }
0x16: {  	[sflag:s10] =	ssyncset.done $0x0  }
0x17: {  	[sflag:s10] =	ssyncadd.s32 $0xFFFFD800  }
0x18: {  	[tilespmem:s11], [sflag:$0x1] =	stream.linear.gather [hbm4b:s4+s2], $0x7D0, $0x38;
	[tilespmem:$0x3CA0] =	vst v63  }
0x19: {  	_ = 	snop  }
0x1a: {  	[tilespmem:s12], [sflag:$0x2] =	stream.linear.gather [hbm4b:s5+s2], $0x7D0, $0x38;
	[tilespmem:$0x3CA0] =	vst v63  }
0x1b: {  	[tilespmem:$0x37A0] =	vst v0  }
0x1c: {  	[tilespmem:$0x37B0] =	vst v0  }
0x1d: {  	[tilespmem:$0x37C0] =	vst v0  }
0x1e: {  	[tilespmem:$0x37D0] =	vst v0  }
0x1f: {  	[tilespmem:$0x37E0] =	vst v0  }
0x20: {  	[tilespmem:$0x37F0] =	vst v0  }
0x21: {  	[tilespmem:$0x3800] =	vst v0  }
0x22: {  	[tilespmem:$0x3810] =	vst v0  }
0x23: {  	[tilespmem:$0x3820] =	vst v0  }
0x24: {  	[tilespmem:$0x3830] =	vst v0  }
0x25: {  	[tilespmem:$0x3840] =	vst v0  }
0x26: {  	[tilespmem:$0x3850] =	vst v0  }
0x27: {  	[tilespmem:$0x3860] =	vst v0  }
0x28: {  	[tilespmem:$0x3870] =	vst v0  }
0x29: {  	[tilespmem:$0x3880] =	vst v0  }
0x2a: {  	[tilespmem:$0x3890] =	vst v0  }
0x2b: {  	[tilespmem:$0x38A0] =	vst v0  }
0x2c: {  	[tilespmem:$0x38B0] =	vst v0  }
0x2d: {  	[tilespmem:$0x38C0] =	vst v0  }
0x2e: {  	[tilespmem:$0x38D0] =	vst v0  }
0x2f: {  	[tilespmem:$0x38E0] =	vst v0  }
0x30: {  	[tilespmem:$0x38F0] =	vst v0  }
0x31: {  	[tilespmem:$0x3900] =	vst v0  }
0x32: {  	[tilespmem:$0x3910] =	vst v0  }
0x33: {  	[tilespmem:$0x3920] =	vst v0  }
0x34: {  	[tilespmem:$0x3930] =	vst v0  }
0x35: {  	[tilespmem:$0x3940] =	vst v0  }
0x36: {  	[tilespmem:$0x3950] =	vst v0  }
0x37: {  	[tilespmem:$0x3960] =	vst v0  }
0x38: {  	[tilespmem:$0x3970] =	vst v0  }
0x39: {  	[tilespmem:$0x3980] =	vst v0  }
0x3a: {  	[tilespmem:$0x3990] =	vst v0  }
0x3b: {  	[tilespmem:$0x39A0] =	vst v0  }
0x3c: {  	[tilespmem:$0x39B0] =	vst v0  }
0x3d: {  	[tilespmem:$0x39C0] =	vst v0  }
0x3e: {  	[tilespmem:$0x39D0] =	vst v0  }
0x3f: {  	[tilespmem:$0x39E0] =	vst v0  }
0x40: {  	[tilespmem:$0x39F0] =	vst v0  }
0x41: {  	[tilespmem:$0x3A00] =	vst v0  }
0x42: {  	[tilespmem:$0x3A10] =	vst v0  }
0x43: {  	[spmem:s6] =	stream.linear.scatter [tilespmem:s13], [sflag:$0x5], $0x280, $0x38;
	[tilespmem:$0x3CA0] =	vst v63  }
0x44: {  	_ =	swait.ge [sflag:s10], $0x280  }
0x45: {  	[sflag:s10] =	ssyncset.done $0x0  }
0x46: {  	[sflag:s10] =	ssyncadd.s32 $0xFFFFFD80  }
0x47: {  	[bflag:$0x0] =	sbarrier.arrive $0xFFFF  }
0x48: {  	_ =	swait.ge [sflag:s14], $0x7D0  }
0x49: {  	[sflag:s14] =	ssyncset.done $0x0  }
0x4a: {  	s23 =	simm.s32 $0x0;
	[sflag:s14] =	ssyncadd.s32 $0xFFFFF830  }
0x4b: {  	[spmem:s1] =	stream.indirect.scatter.add.f32 [tilespmem:s11], [sflag:$0x3], $0x10, s23, s15, $0xb8;
	[tilespmem:$0x3CA0] =	vst v63  }
0x4c: {  	_ =	swait.ge [sflag:s16], $0x7D0  }
0x4d: {  	[sflag:s16] =	ssyncset.done $0x0  }
0x4e: {  	s30 =	simm.s32 $0x80;
	[sflag:s16] =	ssyncadd.s32 $0xFFFFF830  }
0x4f: {  	[spmem:s1] =	stream.indirect.scatter.add.f32 [tilespmem:s12], [sflag:$0x4], $0x10, s30, s15, $0xb8;
	[tilespmem:$0x3CA0] =	vst v63  }
0x50: {  	_ =	swait.ge [sflag:s17], $0x7D0  }
0x51: {  	[sflag:s17] =	ssyncset.done $0x0  }
0x52: {  	s31 =	sadd.s32 $0xFFFFFF06, s9;
	[sflag:s17] =	ssyncadd.s32 $0xFFFFF830  }
0x53: {  	[tilespmem:s11], [sflag:$0x1] =	stream.linear.gather [hbm4b:s31+s2], $0x7D0, $0x38;
	[tilespmem:$0x3CA0] =	vst v63  }
0x54: {  	_ =	swait.ge [sflag:s18], $0x7D0  }
0x55: {  	s24 =	sadd.s32 $0x1F4, s9;
	[sflag:s18] =	ssyncset.done $0x0  }
0x56: {  	s25 =	smov.u32 s9;
	s23 =	simm.s32 $0x400;
	[sflag:s18] =	ssyncadd.s32 $0xFFFFF830  }
.LBB2_2:
0x57: {  	[tilespmem:s12], [sflag:$0x2] =	stream.linear.gather [hbm4b:s25+s2], $0x7D0, $0x38;
	[tilespmem:$0x3CA0] =	vst v63  }
0x58: {  	s26 =	smov.u32 s23;
	s25 =	smov.u32 s24  }
0x59: {  	p1 =	sne.s32 s23, $0x9800;
	s23 =	sadd.s32 $0x400, s23;
	_ =	swait.ge [sflag:s14], $0x7D0  }
0x5a: {  	[sflag:s14] =	ssyncset.done $0x0  }
0x5b: {  	s26 =	sshra.s32 s26, $0x2;
	[sflag:s14] =	ssyncadd.s32 $0xFFFFF830  }
0x5c: {  	[spmem:s1] =	stream.indirect.scatter.add.f32 [tilespmem:s11], [sflag:$0x3], $0x10, s26, s15, $0xb8;
	[tilespmem:$0x3CA0] =	vst v63  }
0x5d: {  	_ =	swait.ge [sflag:s16], $0x7D0  }
0x5e: {  	[sflag:s16] =	ssyncset.done $0x0  }
0x5f: {  	s26 =	sadd.s32 $0x80, s26;
	[sflag:s16] =	ssyncadd.s32 $0xFFFFF830  }
0x60: {  	[spmem:s1] =	stream.indirect.scatter.add.f32 [tilespmem:s12], [sflag:$0x4], $0x10, s26, s15, $0xb8;
	[tilespmem:$0x3CA0] =	vst v63  }
0x61: {  	_ =	swait.ge [sflag:s17], $0x7D0  }
0x62: {  	[sflag:s17] =	ssyncset.done $0x0  }
.Ltmp0:
0x63: {  	s26 =	sadd.s32 $0xFFFFFF06, s24;
	[sflag:s17] =	ssyncadd.s32 $0xFFFFF830;
	(pc) =	sbr.rel @p1 .LBB2_2-.Ltmp0, $4  }
0x64: {  	[tilespmem:s11], [sflag:$0x1] =	stream.linear.gather [hbm4b:s26+s2], $0x7D0, $0x38;
	[tilespmem:$0x3CA0] =	vst v63  }
0x65: {  	_ =	swait.ge [sflag:s18], $0x7D0  }
0x66: {  	[sflag:s18] =	ssyncset.done $0x0  }
0x67: {  	s24 =	sadd.s32 $0x1F4, s24;
	[sflag:s18] =	ssyncadd.s32 $0xFFFFF830  }
0x68: {  	[tilespmem:s12], [sflag:$0x2] =	stream.linear.gather [hbm4b:s25+s2], $0x7D0, $0x38;
	[tilespmem:$0x3CA0] =	vst v63  }
0x69: {  	_ =	swait.ge [sflag:s14], $0x7D0  }
0x6a: {  	[sflag:s14] =	ssyncset.done $0x0  }
0x6b: {  	[sflag:s14] =	ssyncadd.s32 $0xFFFFF830  }
0x6c: {  	[spmem:s1] =	stream.indirect.scatter.add.f32 [tilespmem:s11], [sflag:$0x3], $0x10, s19, s15, $0xb8;
	[tilespmem:$0x3CA0] =	vst v63  }
0x6d: {  	_ =	swait.ge [sflag:s16], $0x7D0  }
0x6e: {  	[sflag:s16] =	ssyncset.done $0x0  }
0x6f: {  	[sflag:s16] =	ssyncadd.s32 $0xFFFFF830  }
0x70: {  	[spmem:s1] =	stream.indirect.scatter.add.f32 [tilespmem:s12], [sflag:$0x4], $0x10, s20, s15, $0xb8;
	[tilespmem:$0x3CA0] =	vst v63  }
0x71: {  	_ =	swait.ge [sflag:s17], $0x7D0  }
0x72: {  	[sflag:s17] =	ssyncset.done $0x0  }
0x73: {  	[sflag:s17] =	ssyncadd.s32 $0xFFFFF830  }
0x74: {  	_ =	swait.ge [sflag:s18], $0x7D0  }
0x75: {  	[sflag:s18] =	ssyncset.done $0x0  }
0x76: {  	s22 =	sadd.s32 $0x1, s22;
	[sflag:s18] =	ssyncadd.s32 $0xFFFFF830  }
0x77: {  	s23 =	simm.s32 @!p0 $0x1C05;
	p1 =	sne.s32 s22, s8;
	[bflag:$0x0] =	sbarrier.arrive $0xFFFF  }
0x78: {  	[hbm:s7], [sflag:s23] =	dma.local @!p0 [spmem:s21], $0x500  }
.Ltmp1:
0x79: {  	_ = 	snop;
	(pc) =	sbr.rel @p1 .LBB2_1-.Ltmp1, $4  }
0x7a: {  	s23 =	simm.s32 @!p0 $0x5  }
0x7b: {  	_ =	swait.ge @!p0 [sflag:s23], $0x500  }
0x7c: {  	[sflag:s23] =	ssyncset.done @!p0 $0x0  }
0x7d: {  	[sflag:s23] =	ssyncadd.s32 @!p0 $0xFFFFFB00  }
0x7e: {  	_ =	sfence.sel $0x180000  }
0x7f: {  	[bflag:$0x0] =	sbarrier.arrive $0xFFFF  }
0x80: {  	_ =	strace $0x90000047  }
0x81: {  	s0 =	sadd.s32 @!p0 $0x100000, s0;
	[bflag:$0x2] =	sbarrier.arrive $0xFFFF  }
0x82: {  	[sflag:s0] =	ssyncadd.tile.s32 @!p0 $0x1;
	_ =	shalt  }
.Lfunc_end2:
_tile_overlayer_lowered:
.L_overlay_start_2:
0x83: {  	(tag) =	ssettag $0x2  }
0x84: {  	s0 =	rddreg [dreg:$0x0];
	s2 =	stileid.u32  }
0x85: {  	s1 =	rddreg [dreg:$0x1];
	p0 =	sne.s32 s2, $0x0  }
0x86: {  	s3 =	rddreg [dreg:$0x2];
	[bflag:$0x3] =	sbarrier.arrive $0xFFFF;
	s2 =	simm.s32 @!p0 $0x1C05  }
0x87: {  	[timem:s3], [sflag:s2] =	dma.local @!p0 [hbm:s0], s1  }
0x88: {  	s0 =	simm.s32 @!p0 $0x5  }
0x89: {  	_ =	swait.ge @!p0 [sflag:s0], s1  }
0x8a: {  	s1 =	ssub.s32 @!p0 $0x0, s1;
	[sflag:s0] =	ssyncset.done @!p0 $0x0  }
0x8b: {  	[sflag:s0] =	ssyncadd.s32 @!p0 s1  }
0x8c: {  	[bflag:$0x3] =	sbarrier.arrive $0xFFFF  }
0x8d: {  	_ =	shalt  }

</sc_bundles>
